<compile_context>
chip_gen: v7x
topology: tpu7x:2x2x1
jax: 0.10.2.dev20260603
libtpu: 0.0.44.dev20260713+nightly
codegen_flags: <defaults>
</compile_context>

<pallas_src>
import jax
import jax.numpy as jnp
from jax import lax
from jax.experimental import pallas as pl
from jax.experimental.pallas import tpu as pltpu
from jax.experimental.pallas import tpu_sc as plsc

N_TOKENS = 32768
INPUT_DIM = 768
NUM_EXPERTS = 8

SC_TOKENS = 2048
TC_TOKENS = N_TOKENS - SC_TOKENS

BLK_T = 2048


def _tc_body(x_ref, w_ref, b_ref, o_ref):
    xb = x_ref[...].astype(jnp.bfloat16)
    wb = w_ref[...].astype(jnp.bfloat16)
    logits = jnp.dot(xb, wb, preferred_element_type=jnp.float32) + b_ref[...]
    m = jnp.max(logits, axis=-1, keepdims=True)
    e = jnp.exp(logits - m)
    s = jnp.sum(e, axis=-1, keepdims=True)
    o_ref[...] = (e / s).T


def _tc_part(x, W, b):
    b2 = b.reshape(1, NUM_EXPERTS)
    grid = (TC_TOKENS // BLK_T,)
    out_t = pl.pallas_call(
        _tc_body,
        grid=grid,
        in_specs=[
            pl.BlockSpec((BLK_T, INPUT_DIM), lambda i: (i, 0)),
            pl.BlockSpec((INPUT_DIM, NUM_EXPERTS), lambda i: (0, 0)),
            pl.BlockSpec((1, NUM_EXPERTS), lambda i: (0, 0)),
        ],
        out_specs=pl.BlockSpec((NUM_EXPERTS, BLK_T), lambda i: (0, i)),
        out_shape=jax.ShapeDtypeStruct((NUM_EXPERTS, TC_TOKENS), jnp.float32),
    )(x, W, b2)
    return out_t.T


NC, NS, L = 2, 16, 16
TOK_PER_CORE = SC_TOKENS // NC
CHUNK = 32
G = CHUNK // L
SUP = NS * CHUNK
N_SUP = TOK_PER_CORE // SUP


def _sc_body(x_hbm, w_hbm, b_hbm, o_hbm,
             sp0, sp1, xbuf, wv, bv, obuf, sem):
    cid = lax.axis_index("c")
    sid = lax.axis_index("s")
    core_base = cid * TOK_PER_CORE

    pltpu.sync_copy(w_hbm, wv)
    pltpu.sync_copy(b_hbm, bv)

    lane = lax.iota(jnp.int32, L)
    rows = [lane + (g * L) for g in range(G)]
    e_idx = [jnp.full((L,), e, jnp.int32) for e in range(NUM_EXPERTS)]
    bbc = [bv[e] for e in range(NUM_EXPERTS)]

    sbufs = [sp0, sp1]

    def src(c):
        return x_hbm.at[pl.ds(TC_TOKENS + core_base + c * SUP, SUP)]

    for c in range(N_SUP):
        @pl.when(sid == 0)
        def _(c=c):
            if c == 0:
                pltpu.make_async_copy(src(0), sbufs[0], sem).start()
            pltpu.make_async_copy(src(c), sbufs[c % 2], sem).wait()
            if c + 1 < N_SUP:
                pltpu.make_async_copy(
                    src(c + 1), sbufs[(c + 1) % 2], sem).start()

        plsc.subcore_barrier()
        pltpu.sync_copy(sbufs[c % 2].at[pl.ds(sid * CHUNK, CHUNK)], xbuf)

        init = tuple(bbc[e] for g in range(G) for e in range(NUM_EXPERTS))

        @plsc.parallel_loop(0, INPUT_DIM, unroll=2, carry=init)
        def accs(d, accs):
            accs = list(accs)
            dsk = lane + d
            dsk = jnp.where(dsk >= INPUT_DIM, dsk - INPUT_DIM, dsk)
            xv = [plsc.load_gather(xbuf, [rows[g], dsk]) for g in range(G)]
            for e in range(NUM_EXPERTS):
                wbc = plsc.load_gather(wv, [dsk, e_idx[e]])
                for g in range(G):
                    k = g * NUM_EXPERTS + e
                    accs[k] = accs[k] + xv[g] * wbc
            return tuple(accs)

        for g in range(G):
            a = [accs[g * NUM_EXPERTS + e] for e in range(NUM_EXPERTS)]
            m = a[0]
            for e in range(1, NUM_EXPERTS):
                m = jnp.maximum(m, a[e])
            ex = [jnp.exp(v - m) for v in a]
            s = ex[0]
            for e in range(1, NUM_EXPERTS):
                s = s + ex[e]
            r = 1.0 / s
            for e in range(NUM_EXPERTS):
                plsc.store_scatter(obuf, [rows[g], e_idx[e]], ex[e] * r)

        pltpu.sync_copy(
            obuf,
            o_hbm.at[pl.ds(core_base + c * SUP + sid * CHUNK, CHUNK)])
        plsc.subcore_barrier()


def _sc_part(x, W, b):
    b2 = jnp.tile(b.reshape(NUM_EXPERTS, 1), (1, L))
    W17 = jnp.concatenate(
        [W, jnp.zeros((INPUT_DIM, 17 - NUM_EXPERTS), jnp.float32)], axis=1)
    mesh = plsc.VectorSubcoreMesh(core_axis_name="c", subcore_axis_name="s")
    f = pl.kernel(
        _sc_body,
        out_type=jax.ShapeDtypeStruct((SC_TOKENS, NUM_EXPERTS), jnp.float32),
        mesh=mesh,
        scratch_types=[
            pltpu.VMEM_SHARED((SUP, INPUT_DIM), jnp.float32),
            pltpu.VMEM_SHARED((SUP, INPUT_DIM), jnp.float32),
            pltpu.VMEM((CHUNK, INPUT_DIM), jnp.float32),
            pltpu.VMEM((INPUT_DIM, 17), jnp.float32),
            pltpu.VMEM((NUM_EXPERTS, L), jnp.float32),
            pltpu.VMEM((CHUNK, NUM_EXPERTS), jnp.float32),
            pltpu.SemaphoreType.DMA,
        ],
        compiler_params=pltpu.CompilerParams(
            needs_layout_passes=False, use_tc_tiling_on_sc=False),
    )
    return f(x, W17, b2)


def kernel(x, W, b):
    out_sc = _sc_part(x, W, b)
    out_tc = _tc_part(x, W, b)
    return jnp.concatenate([out_tc, out_sc], axis=0)

# --- scband reference (transcript-rebuilt; emitter-appended) ---
"""Pipeline reference for scband-router-27195732918638 (READ-ONLY COPY).

The authoritative reference and input builder live on the scoring server;
editing this copy changes nothing except your own understanding.
"""

import jax, jax.numpy as jnp
import numpy as np

INPUT_DIM = 768
NUM_EXPERTS = 8
N_TOKENS = 32768

def setup_inputs(seed: int = 0) -> dict:
    key = jax.random.key(seed)
    k_x, k_w, k_b = jax.random.split(key, 3)
    x = jax.random.normal(k_x, (N_TOKENS, INPUT_DIM), dtype=jnp.float32)
    # nn.Linear default init: U(-1/sqrt(fan_in), 1/sqrt(fan_in))
    bound = 1.0 / np.sqrt(INPUT_DIM)
    W = jax.random.uniform(k_w, (INPUT_DIM, NUM_EXPERTS), dtype=jnp.float32, minval=-bound, maxval=bound)
    b = jax.random.uniform(k_b, (NUM_EXPERTS,), dtype=jnp.float32, minval=-bound, maxval=bound)
    return {"x": x, "W": W, "b": b}

def reference(x, W, b):
    expert_logits = x @ W + b
    expert_probs = jax.nn.softmax(expert_logits, axis=-1)
    return expert_probs

if __name__ == "__main__":
    import jax
    _d = setup_inputs()
    print(jax.jit(kernel)(*tuple(_d.values())))

</pallas_src>

<mosaic_0001>
#map = affine_map<(d0, d1) -> (0, 0)>
module attributes {stable_mosaic.version = 14 : i64} {
  func.func @_sc_body(%arg0: i32, %arg1: i32, %arg2: memref<32768x768xf32, #tpu.memory_space<hbm>>, %arg3: memref<768x17xf32, #tpu.memory_space<hbm>>, %arg4: memref<8x16xf32, #tpu.memory_space<hbm>>, %arg5: memref<2048x8xf32, #tpu.memory_space<hbm>>, %arg6: memref<512x768xf32, #tpu.memory_space<vmem_shared>>, %arg7: memref<512x768xf32, #tpu.memory_space<vmem_shared>>, %arg8: memref<32x768xf32, #tpu.memory_space<vmem>>, %arg9: memref<768x17xf32, #tpu.memory_space<vmem>>, %arg10: memref<8x16xf32, #tpu.memory_space<vmem>>, %arg11: memref<32x8xf32, #tpu.memory_space<vmem>>, %arg12: memref<!tpu.dma_semaphore, #tpu.memory_space<semaphore_mem>>) attributes {dimension_semantics = [#tpu.dimension_semantics<core_parallel>, #tpu.dimension_semantics<subcore_parallel>], iteration_bounds = array<i64: 2, 16>, scalar_prefetch = 0 : i64, scratch_operands = 7 : i64, tpu.core_type = #tpu.core_type<sc_vector_subcore>, window_params = [{transform_indices = #map}, {transform_indices = #map}, {transform_indices = #map}, {transform_indices = #map}]} {
    %mul3A = arith.constant 1024 : i32
    %mul3A_0 = arith.muli %arg0, %mul3A : i32
    "tpu.region"() ({
      %run_scoped3A = tpu.sem_alloc : memref<!tpu.dma_semaphore, #tpu.memory_space<semaphore_mem>>
      tpu.enqueue_dma source(%arg3 : memref<768x17xf32, #tpu.memory_space<hbm>>) target(%arg9 : memref<768x17xf32, #tpu.memory_space<vmem>>) target_semaphore(%run_scoped3A : memref<!tpu.dma_semaphore, #tpu.memory_space<semaphore_mem>>)
      tpu.wait_dma2 semaphore(%run_scoped3A : memref<!tpu.dma_semaphore, #tpu.memory_space<semaphore_mem>>) src(%arg3 : memref<768x17xf32, #tpu.memory_space<hbm>>) dst(%arg9 : memref<768x17xf32, #tpu.memory_space<vmem>>)
      tpu.yield
    }) : () -> ()
    "tpu.region"() ({
      %run_scoped3A = tpu.sem_alloc : memref<!tpu.dma_semaphore, #tpu.memory_space<semaphore_mem>>
      tpu.enqueue_dma source(%arg4 : memref<8x16xf32, #tpu.memory_space<hbm>>) target(%arg10 : memref<8x16xf32, #tpu.memory_space<vmem>>) target_semaphore(%run_scoped3A : memref<!tpu.dma_semaphore, #tpu.memory_space<semaphore_mem>>)
      tpu.wait_dma2 semaphore(%run_scoped3A : memref<!tpu.dma_semaphore, #tpu.memory_space<semaphore_mem>>) src(%arg4 : memref<8x16xf32, #tpu.memory_space<hbm>>) dst(%arg10 : memref<8x16xf32, #tpu.memory_space<vmem>>)
      tpu.yield
    }) : () -> ()
    %iota3A = tpu.iota {dimensions = array<i32: 0>} : vector<16xi32>
    %add3A = arith.constant 0 : i32
    %add3A_1 = vector.broadcast %add3A : i32 to vector<16xi32>
    %add3A_2 = arith.addi %iota3A, %add3A_1 : vector<16xi32>
    %add3A_3 = arith.constant 16 : i32
    %add3A_4 = vector.broadcast %add3A_3 : i32 to vector<16xi32>
    %add3A_5 = arith.addi %iota3A, %add3A_4 : vector<16xi32>
    %broadcast_in_dim3A = arith.constant 0 : i32
    %broadcast_in_dim3A_6 = vector.broadcast %broadcast_in_dim3A : i32 to vector<16xi32>
    %broadcast_in_dim3A_7 = arith.constant 1 : i32
    %broadcast_in_dim3A_8 = vector.broadcast %broadcast_in_dim3A_7 : i32 to vector<16xi32>
    %broadcast_in_dim3A_9 = arith.constant 2 : i32
    %broadcast_in_dim3A_10 = vector.broadcast %broadcast_in_dim3A_9 : i32 to vector<16xi32>
    %broadcast_in_dim3A_11 = arith.constant 3 : i32
    %broadcast_in_dim3A_12 = vector.broadcast %broadcast_in_dim3A_11 : i32 to vector<16xi32>
    %broadcast_in_dim3A_13 = arith.constant 4 : i32
    %broadcast_in_dim3A_14 = vector.broadcast %broadcast_in_dim3A_13 : i32 to vector<16xi32>
    %broadcast_in_dim3A_15 = arith.constant 5 : i32
    %broadcast_in_dim3A_16 = vector.broadcast %broadcast_in_dim3A_15 : i32 to vector<16xi32>
    %broadcast_in_dim3A_17 = arith.constant 6 : i32
    %broadcast_in_dim3A_18 = vector.broadcast %broadcast_in_dim3A_17 : i32 to vector<16xi32>
    %broadcast_in_dim3A_19 = arith.constant 7 : i32
    %broadcast_in_dim3A_20 = vector.broadcast %broadcast_in_dim3A_19 : i32 to vector<16xi32>
    %get3A = arith.constant 0 : i32
    %get3A_21 = arith.index_cast %get3A : i32 to index
    %get3A_22 = arith.constant 0 : index
    %get3A_23 = tpu.vector_load %arg10[%get3A_21, %get3A_22] {strides = array<i32>} : memref<8x16xf32, #tpu.memory_space<vmem>>, vector<16xf32>,
    %get3A_24 = arith.constant 1 : i32
    %get3A_25 = arith.index_cast %get3A_24 : i32 to index
    %get3A_26 = arith.constant 0 : index
    %get3A_27 = tpu.vector_load %arg10[%get3A_25, %get3A_26] {strides = array<i32>} : memref<8x16xf32, #tpu.memory_space<vmem>>, vector<16xf32>,
    %get3A_28 = arith.constant 2 : i32
    %get3A_29 = arith.index_cast %get3A_28 : i32 to index
    %get3A_30 = arith.constant 0 : index
    %get3A_31 = tpu.vector_load %arg10[%get3A_29, %get3A_30] {strides = array<i32>} : memref<8x16xf32, #tpu.memory_space<vmem>>, vector<16xf32>,
    %get3A_32 = arith.constant 3 : i32
    %get3A_33 = arith.index_cast %get3A_32 : i32 to index
    %get3A_34 = arith.constant 0 : index
    %get3A_35 = tpu.vector_load %arg10[%get3A_33, %get3A_34] {strides = array<i32>} : memref<8x16xf32, #tpu.memory_space<vmem>>, vector<16xf32>,
    %get3A_36 = arith.constant 4 : i32
    %get3A_37 = arith.index_cast %get3A_36 : i32 to index
    %get3A_38 = arith.constant 0 : index
    %get3A_39 = tpu.vector_load %arg10[%get3A_37, %get3A_38] {strides = array<i32>} : memref<8x16xf32, #tpu.memory_space<vmem>>, vector<16xf32>,
    %get3A_40 = arith.constant 5 : i32
    %get3A_41 = arith.index_cast %get3A_40 : i32 to index
    %get3A_42 = arith.constant 0 : index
    %get3A_43 = tpu.vector_load %arg10[%get3A_41, %get3A_42] {strides = array<i32>} : memref<8x16xf32, #tpu.memory_space<vmem>>, vector<16xf32>,
    %get3A_44 = arith.constant 6 : i32
    %get3A_45 = arith.index_cast %get3A_44 : i32 to index
    %get3A_46 = arith.constant 0 : index
    %get3A_47 = tpu.vector_load %arg10[%get3A_45, %get3A_46] {strides = array<i32>} : memref<8x16xf32, #tpu.memory_space<vmem>>, vector<16xf32>,
    %get3A_48 = arith.constant 7 : i32
    %get3A_49 = arith.index_cast %get3A_48 : i32 to index
    %get3A_50 = arith.constant 0 : index
    %get3A_51 = tpu.vector_load %arg10[%get3A_49, %get3A_50] {strides = array<i32>} : memref<8x16xf32, #tpu.memory_space<vmem>>, vector<16xf32>,
    %eq3A = arith.constant 0 : i32
    %eq3A_52 = arith.cmpi eq, %arg1, %eq3A : i32
    %convert_element_type3A = arith.extui %eq3A_52 : i1 to i32
    %cond3A = arith.constant 0 : i32
    %cond3A_53 = arith.cmpi ne, %convert_element_type3A, %cond3A : i32
    scf.if %cond3A_53 {
      %add3A_243 = arith.constant 30720 : i32
      %add3A_244 = arith.addi %add3A_243, %mul3A_0 : i32
      %add3A_245 = arith.constant 0 : i32
      %add3A_246 = arith.addi %add3A_244, %add3A_245 : i32
      %dma_start3A = arith.constant 0 : i32
      %dma_start3A_247 = tpu.memref_slice %arg2[%add3A_246, %dma_start3A] : memref<32768x768xf32, #tpu.memory_space<hbm>> -> memref<512x768xf32, #tpu.memory_space<hbm>>
      tpu.enqueue_dma source(%dma_start3A_247 : memref<512x768xf32, #tpu.memory_space<hbm>>) target(%arg6 : memref<512x768xf32, #tpu.memory_space<vmem_shared>>) target_semaphore(%arg12 : memref<!tpu.dma_semaphore, #tpu.memory_space<semaphore_mem>>)
      %add3A_248 = arith.constant 30720 : i32
      %add3A_249 = arith.addi %add3A_248, %mul3A_0 : i32
      %add3A_250 = arith.constant 0 : i32
      %add3A_251 = arith.addi %add3A_249, %add3A_250 : i32
      %dma_wait3A = arith.constant 0 : i32
      %dma_wait3A_252 = tpu.memref_slice %arg2[%add3A_251, %dma_wait3A] : memref<32768x768xf32, #tpu.memory_space<hbm>> -> memref<512x768xf32, #tpu.memory_space<hbm>>
      tpu.wait_dma2 semaphore(%arg12 : memref<!tpu.dma_semaphore, #tpu.memory_space<semaphore_mem>>) src(%dma_wait3A_252 : memref<512x768xf32, #tpu.memory_space<hbm>>) dst(%arg6 : memref<512x768xf32, #tpu.memory_space<vmem_shared>>)
      %add3A_253 = arith.constant 30720 : i32
      %add3A_254 = arith.addi %add3A_253, %mul3A_0 : i32
      %add3A_255 = arith.constant 512 : i32
      %add3A_256 = arith.addi %add3A_254, %add3A_255 : i32
      %dma_start3A_257 = arith.constant 0 : i32
      %dma_start3A_258 = tpu.memref_slice %arg2[%add3A_256, %dma_start3A_257] : memref<32768x768xf32, #tpu.memory_space<hbm>> -> memref<512x768xf32, #tpu.memory_space<hbm>>
      tpu.enqueue_dma source(%dma_start3A_258 : memref<512x768xf32, #tpu.memory_space<hbm>>) target(%arg7 : memref<512x768xf32, #tpu.memory_space<vmem_shared>>) target_semaphore(%arg12 : memref<!tpu.dma_semaphore, #tpu.memory_space<semaphore_mem>>)
    } else {
    }
    %barrier3A = arith.constant 0 : index
    tpu.barrier barrier_id(%barrier3A)
    %mul3A_54 = arith.constant 32 : i32
    %mul3A_55 = arith.muli %arg1, %mul3A_54 : i32
    "tpu.region"() ({
      %run_scoped3A = tpu.sem_alloc : memref<!tpu.dma_semaphore, #tpu.memory_space<semaphore_mem>>
      %dma_start3A = arith.constant 0 : i32
      %dma_start3A_243 = tpu.memref_slice %arg6[%mul3A_55, %dma_start3A] : memref<512x768xf32, #tpu.memory_space<vmem_shared>> -> memref<32x768xf32, #tpu.memory_space<vmem_shared>>
      %dma_start3A_244 = arith.constant 0 : i32
      %dma_start3A_245 = tpu.memref_slice %arg6[%mul3A_55, %dma_start3A_244] : memref<512x768xf32, #tpu.memory_space<vmem_shared>> -> memref<32x768xf32, #tpu.memory_space<vmem_shared>>
      tpu.enqueue_dma source(%dma_start3A_245 : memref<32x768xf32, #tpu.memory_space<vmem_shared>>) target(%arg8 : memref<32x768xf32, #tpu.memory_space<vmem>>) target_semaphore(%run_scoped3A : memref<!tpu.dma_semaphore, #tpu.memory_space<semaphore_mem>>)
      %dma_wait3A = arith.constant 0 : i32
      %dma_wait3A_246 = tpu.memref_slice %arg6[%mul3A_55, %dma_wait3A] : memref<512x768xf32, #tpu.memory_space<vmem_shared>> -> memref<32x768xf32, #tpu.memory_space<vmem_shared>>
      %dma_wait3A_247 = arith.constant 0 : i32
      %dma_wait3A_248 = tpu.memref_slice %arg6[%mul3A_55, %dma_wait3A_247] : memref<512x768xf32, #tpu.memory_space<vmem_shared>> -> memref<32x768xf32, #tpu.memory_space<vmem_shared>>
      tpu.wait_dma2 semaphore(%run_scoped3A : memref<!tpu.dma_semaphore, #tpu.memory_space<semaphore_mem>>) src(%dma_wait3A_248 : memref<32x768xf32, #tpu.memory_space<vmem_shared>>) dst(%arg8 : memref<32x768xf32, #tpu.memory_space<vmem>>)
      tpu.yield
    }) : () -> ()
    %parallel_loop3A = arith.constant 0 : i32
    %parallel_loop3A_56 = arith.constant 768 : i32
    %parallel_loop3A_57 = arith.constant 1 : i32
    %parallel_loop3A_58:16 = scf.for %parallel_loop3A_243 = %parallel_loop3A to %parallel_loop3A_56 step %parallel_loop3A_57 iter_args(%parallel_loop3A_244 = %get3A_23, %parallel_loop3A_245 = %get3A_27, %parallel_loop3A_246 = %get3A_31, %parallel_loop3A_247 = %get3A_35, %parallel_loop3A_248 = %get3A_39, %parallel_loop3A_249 = %get3A_43, %parallel_loop3A_250 = %get3A_47, %parallel_loop3A_251 = %get3A_51, %parallel_loop3A_252 = %get3A_23, %parallel_loop3A_253 = %get3A_27, %parallel_loop3A_254 = %get3A_31, %parallel_loop3A_255 = %get3A_35, %parallel_loop3A_256 = %get3A_39, %parallel_loop3A_257 = %get3A_43, %parallel_loop3A_258 = %get3A_47, %parallel_loop3A_259 = %get3A_51) -> (vector<16xf32>, vector<16xf32>, vector<16xf32>, vector<16xf32>, vector<16xf32>, vector<16xf32>, vector<16xf32>, vector<16xf32>, vector<16xf32>, vector<16xf32>, vector<16xf32>, vector<16xf32>, vector<16xf32>, vector<16xf32>, vector<16xf32>, vector<16xf32>)  : i32 {
      %parallel_loop3A_260 = vector.broadcast %parallel_loop3A_243 : i32 to vector<16xi32>
      %parallel_loop3A_261 = arith.addi %iota3A, %parallel_loop3A_260 : vector<16xi32>
      %parallel_loop3A_262 = arith.constant 768 : i32
      %parallel_loop3A_263 = vector.broadcast %parallel_loop3A_262 : i32 to vector<16xi32>
      %parallel_loop3A_264 = arith.cmpi sge, %parallel_loop3A_261, %parallel_loop3A_263 : vector<16xi32>
      %parallel_loop3A_265 = arith.constant 768 : i32
      %parallel_loop3A_266 = vector.broadcast %parallel_loop3A_265 : i32 to vector<16xi32>
      %parallel_loop3A_267 = arith.subi %parallel_loop3A_261, %parallel_loop3A_266 : vector<16xi32>
      %parallel_loop3A_268 = arith.select %parallel_loop3A_264, %parallel_loop3A_267, %parallel_loop3A_261 : vector<16xi1>, vector<16xi32>
      %parallel_loop3A_269 = tpu.vector_load_idx %arg8[%add3A_2, %parallel_loop3A_268] : memref<32x768xf32, #tpu.memory_space<vmem>>[vector<16xi32>, vector<16xi32>], vector<16xf32>,
      %parallel_loop3A_270 = tpu.vector_load_idx %arg8[%add3A_5, %parallel_loop3A_268] : memref<32x768xf32, #tpu.memory_space<vmem>>[vector<16xi32>, vector<16xi32>], vector<16xf32>,
      %parallel_loop3A_271 = tpu.vector_load_idx %arg9[%parallel_loop3A_268, %broadcast_in_dim3A_6] : memref<768x17xf32, #tpu.memory_space<vmem>>[vector<16xi32>, vector<16xi32>], vector<16xf32>,
      %parallel_loop3A_272 = arith.mulf %parallel_loop3A_269, %parallel_loop3A_271 : vector<16xf32>
      %parallel_loop3A_273 = arith.addf %parallel_loop3A_244, %parallel_loop3A_272 : vector<16xf32>
      %parallel_loop3A_274 = arith.mulf %parallel_loop3A_270, %parallel_loop3A_271 : vector<16xf32>
      %parallel_loop3A_275 = arith.addf %parallel_loop3A_252, %parallel_loop3A_274 : vector<16xf32>
      %parallel_loop3A_276 = tpu.vector_load_idx %arg9[%parallel_loop3A_268, %broadcast_in_dim3A_8] : memref<768x17xf32, #tpu.memory_space<vmem>>[vector<16xi32>, vector<16xi32>], vector<16xf32>,
      %parallel_loop3A_277 = arith.mulf %parallel_loop3A_269, %parallel_loop3A_276 : vector<16xf32>
      %parallel_loop3A_278 = arith.addf %parallel_loop3A_245, %parallel_loop3A_277 : vector<16xf32>
      %parallel_loop3A_279 = arith.mulf %parallel_loop3A_270, %parallel_loop3A_276 : vector<16xf32>
      %parallel_loop3A_280 = arith.addf %parallel_loop3A_253, %parallel_loop3A_279 : vector<16xf32>
      %parallel_loop3A_281 = tpu.vector_load_idx %arg9[%parallel_loop3A_268, %broadcast_in_dim3A_10] : memref<768x17xf32, #tpu.memory_space<vmem>>[vector<16xi32>, vector<16xi32>], vector<16xf32>,
      %parallel_loop3A_282 = arith.mulf %parallel_loop3A_269, %parallel_loop3A_281 : vector<16xf32>
      %parallel_loop3A_283 = arith.addf %parallel_loop3A_246, %parallel_loop3A_282 : vector<16xf32>
      %parallel_loop3A_284 = arith.mulf %parallel_loop3A_270, %parallel_loop3A_281 : vector<16xf32>
      %parallel_loop3A_285 = arith.addf %parallel_loop3A_254, %parallel_loop3A_284 : vector<16xf32>
      %parallel_loop3A_286 = tpu.vector_load_idx %arg9[%parallel_loop3A_268, %broadcast_in_dim3A_12] : memref<768x17xf32, #tpu.memory_space<vmem>>[vector<16xi32>, vector<16xi32>], vector<16xf32>,
      %parallel_loop3A_287 = arith.mulf %parallel_loop3A_269, %parallel_loop3A_286 : vector<16xf32>
      %parallel_loop3A_288 = arith.addf %parallel_loop3A_247, %parallel_loop3A_287 : vector<16xf32>
      %parallel_loop3A_289 = arith.mulf %parallel_loop3A_270, %parallel_loop3A_286 : vector<16xf32>
      %parallel_loop3A_290 = arith.addf %parallel_loop3A_255, %parallel_loop3A_289 : vector<16xf32>
      %parallel_loop3A_291 = tpu.vector_load_idx %arg9[%parallel_loop3A_268, %broadcast_in_dim3A_14] : memref<768x17xf32, #tpu.memory_space<vmem>>[vector<16xi32>, vector<16xi32>], vector<16xf32>,
      %parallel_loop3A_292 = arith.mulf %parallel_loop3A_269, %parallel_loop3A_291 : vector<16xf32>
      %parallel_loop3A_293 = arith.addf %parallel_loop3A_248, %parallel_loop3A_292 : vector<16xf32>
      %parallel_loop3A_294 = arith.mulf %parallel_loop3A_270, %parallel_loop3A_291 : vector<16xf32>
      %parallel_loop3A_295 = arith.addf %parallel_loop3A_256, %parallel_loop3A_294 : vector<16xf32>
      %parallel_loop3A_296 = tpu.vector_load_idx %arg9[%parallel_loop3A_268, %broadcast_in_dim3A_16] : memref<768x17xf32, #tpu.memory_space<vmem>>[vector<16xi32>, vector<16xi32>], vector<16xf32>,
      %parallel_loop3A_297 = arith.mulf %parallel_loop3A_269, %parallel_loop3A_296 : vector<16xf32>
      %parallel_loop3A_298 = arith.addf %parallel_loop3A_249, %parallel_loop3A_297 : vector<16xf32>
      %parallel_loop3A_299 = arith.mulf %parallel_loop3A_270, %parallel_loop3A_296 : vector<16xf32>
      %parallel_loop3A_300 = arith.addf %parallel_loop3A_257, %parallel_loop3A_299 : vector<16xf32>
      %parallel_loop3A_301 = tpu.vector_load_idx %arg9[%parallel_loop3A_268, %broadcast_in_dim3A_18] : memref<768x17xf32, #tpu.memory_space<vmem>>[vector<16xi32>, vector<16xi32>], vector<16xf32>,
      %parallel_loop3A_302 = arith.mulf %parallel_loop3A_269, %parallel_loop3A_301 : vector<16xf32>
      %parallel_loop3A_303 = arith.addf %parallel_loop3A_250, %parallel_loop3A_302 : vector<16xf32>
      %parallel_loop3A_304 = arith.mulf %parallel_loop3A_270, %parallel_loop3A_301 : vector<16xf32>
      %parallel_loop3A_305 = arith.addf %parallel_loop3A_258, %parallel_loop3A_304 : vector<16xf32>
      %parallel_loop3A_306 = tpu.vector_load_idx %arg9[%parallel_loop3A_268, %broadcast_in_dim3A_20] : memref<768x17xf32, #tpu.memory_space<vmem>>[vector<16xi32>, vector<16xi32>], vector<16xf32>,
      %parallel_loop3A_307 = arith.mulf %parallel_loop3A_269, %parallel_loop3A_306 : vector<16xf32>
      %parallel_loop3A_308 = arith.addf %parallel_loop3A_251, %parallel_loop3A_307 : vector<16xf32>
      %parallel_loop3A_309 = arith.mulf %parallel_loop3A_270, %parallel_loop3A_306 : vector<16xf32>
      %parallel_loop3A_310 = arith.addf %parallel_loop3A_259, %parallel_loop3A_309 : vector<16xf32>
      scf.yield %parallel_loop3A_273, %parallel_loop3A_278, %parallel_loop3A_283, %parallel_loop3A_288, %parallel_loop3A_293, %parallel_loop3A_298, %parallel_loop3A_303, %parallel_loop3A_308, %parallel_loop3A_275, %parallel_loop3A_280, %parallel_loop3A_285, %parallel_loop3A_290, %parallel_loop3A_295, %parallel_loop3A_300, %parallel_loop3A_305, %parallel_loop3A_310 : vector<16xf32>, vector<16xf32>, vector<16xf32>, vector<16xf32>, vector<16xf32>, vector<16xf32>, vector<16xf32>, vector<16xf32>, vector<16xf32>, vector<16xf32>, vector<16xf32>, vector<16xf32>, vector<16xf32>, vector<16xf32>, vector<16xf32>, vector<16xf32>
    } {sc.loop_unroll_factor = 2 : i64, sc.parallel_access}
    %max3A = arith.maximumf %parallel_loop3A_58#0, %parallel_loop3A_58#1 : vector<16xf32>
    %max3A_59 = arith.maximumf %max3A, %parallel_loop3A_58#2 : vector<16xf32>
    %max3A_60 = arith.maximumf %max3A_59, %parallel_loop3A_58#3 : vector<16xf32>
    %max3A_61 = arith.maximumf %max3A_60, %parallel_loop3A_58#4 : vector<16xf32>
    %max3A_62 = arith.maximumf %max3A_61, %parallel_loop3A_58#5 : vector<16xf32>
    %max3A_63 = arith.maximumf %max3A_62, %parallel_loop3A_58#6 : vector<16xf32>
    %max3A_64 = arith.maximumf %max3A_63, %parallel_loop3A_58#7 : vector<16xf32>
    %sub3A = arith.subf %parallel_loop3A_58#0, %max3A_64 : vector<16xf32>
    %exp3A = math.exp %sub3A : vector<16xf32>
    %sub3A_65 = arith.subf %parallel_loop3A_58#1, %max3A_64 : vector<16xf32>
    %exp3A_66 = math.exp %sub3A_65 : vector<16xf32>
    %sub3A_67 = arith.subf %parallel_loop3A_58#2, %max3A_64 : vector<16xf32>
    %exp3A_68 = math.exp %sub3A_67 : vector<16xf32>
    %sub3A_69 = arith.subf %parallel_loop3A_58#3, %max3A_64 : vector<16xf32>
    %exp3A_70 = math.exp %sub3A_69 : vector<16xf32>
    %sub3A_71 = arith.subf %parallel_loop3A_58#4, %max3A_64 : vector<16xf32>
    %exp3A_72 = math.exp %sub3A_71 : vector<16xf32>
    %sub3A_73 = arith.subf %parallel_loop3A_58#5, %max3A_64 : vector<16xf32>
    %exp3A_74 = math.exp %sub3A_73 : vector<16xf32>
    %sub3A_75 = arith.subf %parallel_loop3A_58#6, %max3A_64 : vector<16xf32>
    %exp3A_76 = math.exp %sub3A_75 : vector<16xf32>
    %sub3A_77 = arith.subf %parallel_loop3A_58#7, %max3A_64 : vector<16xf32>
    %exp3A_78 = math.exp %sub3A_77 : vector<16xf32>
    %add3A_79 = arith.addf %exp3A, %exp3A_66 : vector<16xf32>
    %add3A_80 = arith.addf %add3A_79, %exp3A_68 : vector<16xf32>
    %add3A_81 = arith.addf %add3A_80, %exp3A_70 : vector<16xf32>
    %add3A_82 = arith.addf %add3A_81, %exp3A_72 : vector<16xf32>
    %add3A_83 = arith.addf %add3A_82, %exp3A_74 : vector<16xf32>
    %add3A_84 = arith.addf %add3A_83, %exp3A_76 : vector<16xf32>
    %add3A_85 = arith.addf %add3A_84, %exp3A_78 : vector<16xf32>
    %div3A = arith.constant 1.000000e+00 : f32
    %div3A_86 = vector.broadcast %div3A : f32 to vector<16xf32>
    %div3A_87 = arith.divf %div3A_86, %add3A_85 : vector<16xf32>
    %mul3A_88 = arith.mulf %exp3A, %div3A_87 : vector<16xf32>
    tpu.vector_store_idx %arg11[%add3A_2, %broadcast_in_dim3A_6], %mul3A_88 : memref<32x8xf32, #tpu.memory_space<vmem>>[vector<16xi32>, vector<16xi32>], vector<16xf32>,
    %mul3A_89 = arith.mulf %exp3A_66, %div3A_87 : vector<16xf32>
    tpu.vector_store_idx %arg11[%add3A_2, %broadcast_in_dim3A_8], %mul3A_89 : memref<32x8xf32, #tpu.memory_space<vmem>>[vector<16xi32>, vector<16xi32>], vector<16xf32>,
    %mul3A_90 = arith.mulf %exp3A_68, %div3A_87 : vector<16xf32>
    tpu.vector_store_idx %arg11[%add3A_2, %broadcast_in_dim3A_10], %mul3A_90 : memref<32x8xf32, #tpu.memory_space<vmem>>[vector<16xi32>, vector<16xi32>], vector<16xf32>,
    %mul3A_91 = arith.mulf %exp3A_70, %div3A_87 : vector<16xf32>
    tpu.vector_store_idx %arg11[%add3A_2, %broadcast_in_dim3A_12], %mul3A_91 : memref<32x8xf32, #tpu.memory_space<vmem>>[vector<16xi32>, vector<16xi32>], vector<16xf32>,
    %mul3A_92 = arith.mulf %exp3A_72, %div3A_87 : vector<16xf32>
    tpu.vector_store_idx %arg11[%add3A_2, %broadcast_in_dim3A_14], %mul3A_92 : memref<32x8xf32, #tpu.memory_space<vmem>>[vector<16xi32>, vector<16xi32>], vector<16xf32>,
    %mul3A_93 = arith.mulf %exp3A_74, %div3A_87 : vector<16xf32>
    tpu.vector_store_idx %arg11[%add3A_2, %broadcast_in_dim3A_16], %mul3A_93 : memref<32x8xf32, #tpu.memory_space<vmem>>[vector<16xi32>, vector<16xi32>], vector<16xf32>,
    %mul3A_94 = arith.mulf %exp3A_76, %div3A_87 : vector<16xf32>
    tpu.vector_store_idx %arg11[%add3A_2, %broadcast_in_dim3A_18], %mul3A_94 : memref<32x8xf32, #tpu.memory_space<vmem>>[vector<16xi32>, vector<16xi32>], vector<16xf32>,
    %mul3A_95 = arith.mulf %exp3A_78, %div3A_87 : vector<16xf32>
    tpu.vector_store_idx %arg11[%add3A_2, %broadcast_in_dim3A_20], %mul3A_95 : memref<32x8xf32, #tpu.memory_space<vmem>>[vector<16xi32>, vector<16xi32>], vector<16xf32>,
    %max3A_96 = arith.maximumf %parallel_loop3A_58#8, %parallel_loop3A_58#9 : vector<16xf32>
    %max3A_97 = arith.maximumf %max3A_96, %parallel_loop3A_58#10 : vector<16xf32>
    %max3A_98 = arith.maximumf %max3A_97, %parallel_loop3A_58#11 : vector<16xf32>
    %max3A_99 = arith.maximumf %max3A_98, %parallel_loop3A_58#12 : vector<16xf32>
    %max3A_100 = arith.maximumf %max3A_99, %parallel_loop3A_58#13 : vector<16xf32>
    %max3A_101 = arith.maximumf %max3A_100, %parallel_loop3A_58#14 : vector<16xf32>
    %max3A_102 = arith.maximumf %max3A_101, %parallel_loop3A_58#15 : vector<16xf32>
    %sub3A_103 = arith.subf %parallel_loop3A_58#8, %max3A_102 : vector<16xf32>
    %exp3A_104 = math.exp %sub3A_103 : vector<16xf32>
    %sub3A_105 = arith.subf %parallel_loop3A_58#9, %max3A_102 : vector<16xf32>
    %exp3A_106 = math.exp %sub3A_105 : vector<16xf32>
    %sub3A_107 = arith.subf %parallel_loop3A_58#10, %max3A_102 : vector<16xf32>
    %exp3A_108 = math.exp %sub3A_107 : vector<16xf32>
    %sub3A_109 = arith.subf %parallel_loop3A_58#11, %max3A_102 : vector<16xf32>
    %exp3A_110 = math.exp %sub3A_109 : vector<16xf32>
    %sub3A_111 = arith.subf %parallel_loop3A_58#12, %max3A_102 : vector<16xf32>
    %exp3A_112 = math.exp %sub3A_111 : vector<16xf32>
    %sub3A_113 = arith.subf %parallel_loop3A_58#13, %max3A_102 : vector<16xf32>
    %exp3A_114 = math.exp %sub3A_113 : vector<16xf32>
    %sub3A_115 = arith.subf %parallel_loop3A_58#14, %max3A_102 : vector<16xf32>
    %exp3A_116 = math.exp %sub3A_115 : vector<16xf32>
    %sub3A_117 = arith.subf %parallel_loop3A_58#15, %max3A_102 : vector<16xf32>
    %exp3A_118 = math.exp %sub3A_117 : vector<16xf32>
    %add3A_119 = arith.addf %exp3A_104, %exp3A_106 : vector<16xf32>
    %add3A_120 = arith.addf %add3A_119, %exp3A_108 : vector<16xf32>
    %add3A_121 = arith.addf %add3A_120, %exp3A_110 : vector<16xf32>
    %add3A_122 = arith.addf %add3A_121, %exp3A_112 : vector<16xf32>
    %add3A_123 = arith.addf %add3A_122, %exp3A_114 : vector<16xf32>
    %add3A_124 = arith.addf %add3A_123, %exp3A_116 : vector<16xf32>
    %add3A_125 = arith.addf %add3A_124, %exp3A_118 : vector<16xf32>
    %div3A_126 = arith.constant 1.000000e+00 : f32
    %div3A_127 = vector.broadcast %div3A_126 : f32 to vector<16xf32>
    %div3A_128 = arith.divf %div3A_127, %add3A_125 : vector<16xf32>
    %mul3A_129 = arith.mulf %exp3A_104, %div3A_128 : vector<16xf32>
    tpu.vector_store_idx %arg11[%add3A_5, %broadcast_in_dim3A_6], %mul3A_129 : memref<32x8xf32, #tpu.memory_space<vmem>>[vector<16xi32>, vector<16xi32>], vector<16xf32>,
    %mul3A_130 = arith.mulf %exp3A_106, %div3A_128 : vector<16xf32>
    tpu.vector_store_idx %arg11[%add3A_5, %broadcast_in_dim3A_8], %mul3A_130 : memref<32x8xf32, #tpu.memory_space<vmem>>[vector<16xi32>, vector<16xi32>], vector<16xf32>,
    %mul3A_131 = arith.mulf %exp3A_108, %div3A_128 : vector<16xf32>
    tpu.vector_store_idx %arg11[%add3A_5, %broadcast_in_dim3A_10], %mul3A_131 : memref<32x8xf32, #tpu.memory_space<vmem>>[vector<16xi32>, vector<16xi32>], vector<16xf32>,
    %mul3A_132 = arith.mulf %exp3A_110, %div3A_128 : vector<16xf32>
    tpu.vector_store_idx %arg11[%add3A_5, %broadcast_in_dim3A_12], %mul3A_132 : memref<32x8xf32, #tpu.memory_space<vmem>>[vector<16xi32>, vector<16xi32>], vector<16xf32>,
    %mul3A_133 = arith.mulf %exp3A_112, %div3A_128 : vector<16xf32>
    tpu.vector_store_idx %arg11[%add3A_5, %broadcast_in_dim3A_14], %mul3A_133 : memref<32x8xf32, #tpu.memory_space<vmem>>[vector<16xi32>, vector<16xi32>], vector<16xf32>,
    %mul3A_134 = arith.mulf %exp3A_114, %div3A_128 : vector<16xf32>
    tpu.vector_store_idx %arg11[%add3A_5, %broadcast_in_dim3A_16], %mul3A_134 : memref<32x8xf32, #tpu.memory_space<vmem>>[vector<16xi32>, vector<16xi32>], vector<16xf32>,
    %mul3A_135 = arith.mulf %exp3A_116, %div3A_128 : vector<16xf32>
    tpu.vector_store_idx %arg11[%add3A_5, %broadcast_in_dim3A_18], %mul3A_135 : memref<32x8xf32, #tpu.memory_space<vmem>>[vector<16xi32>, vector<16xi32>], vector<16xf32>,
    %mul3A_136 = arith.mulf %exp3A_118, %div3A_128 : vector<16xf32>
    tpu.vector_store_idx %arg11[%add3A_5, %broadcast_in_dim3A_20], %mul3A_136 : memref<32x8xf32, #tpu.memory_space<vmem>>[vector<16xi32>, vector<16xi32>], vector<16xf32>,
    %add3A_137 = arith.constant 0 : i32
    %add3A_138 = arith.addi %mul3A_0, %add3A_137 : i32
    %mul3A_139 = arith.constant 32 : i32
    %mul3A_140 = arith.muli %arg1, %mul3A_139 : i32
    %add3A_141 = arith.addi %add3A_138, %mul3A_140 : i32
    "tpu.region"() ({
      %run_scoped3A = tpu.sem_alloc : memref<!tpu.dma_semaphore, #tpu.memory_space<semaphore_mem>>
      %dma_start3A = arith.constant 0 : i32
      %dma_start3A_243 = tpu.memref_slice %arg5[%add3A_141, %dma_start3A] : memref<2048x8xf32, #tpu.memory_space<hbm>> -> memref<32x8xf32, #tpu.memory_space<hbm>>
      %dma_start3A_244 = arith.constant 0 : i32
      %dma_start3A_245 = tpu.memref_slice %arg5[%add3A_141, %dma_start3A_244] : memref<2048x8xf32, #tpu.memory_space<hbm>> -> memref<32x8xf32, #tpu.memory_space<hbm>>
      tpu.enqueue_dma source(%arg11 : memref<32x8xf32, #tpu.memory_space<vmem>>) target(%dma_start3A_245 : memref<32x8xf32, #tpu.memory_space<hbm>>) target_semaphore(%run_scoped3A : memref<!tpu.dma_semaphore, #tpu.memory_space<semaphore_mem>>)
      %dma_wait3A = arith.constant 0 : i32
      %dma_wait3A_246 = tpu.memref_slice %arg5[%add3A_141, %dma_wait3A] : memref<2048x8xf32, #tpu.memory_space<hbm>> -> memref<32x8xf32, #tpu.memory_space<hbm>>
      %dma_wait3A_247 = arith.constant 0 : i32
      %dma_wait3A_248 = tpu.memref_slice %arg5[%add3A_141, %dma_wait3A_247] : memref<2048x8xf32, #tpu.memory_space<hbm>> -> memref<32x8xf32, #tpu.memory_space<hbm>>
      tpu.wait_dma2 semaphore(%run_scoped3A : memref<!tpu.dma_semaphore, #tpu.memory_space<semaphore_mem>>) src(%arg11 : memref<32x8xf32, #tpu.memory_space<vmem>>) dst(%dma_wait3A_248 : memref<32x8xf32, #tpu.memory_space<hbm>>)
      tpu.yield
    }) : () -> ()
    %barrier3A_142 = arith.constant 0 : index
    tpu.barrier barrier_id(%barrier3A_142)
    %eq3A_143 = arith.constant 0 : i32
    %eq3A_144 = arith.cmpi eq, %arg1, %eq3A_143 : i32
    %convert_element_type3A_145 = arith.extui %eq3A_144 : i1 to i32
    %cond3A_146 = arith.constant 0 : i32
    %cond3A_147 = arith.cmpi ne, %convert_element_type3A_145, %cond3A_146 : i32
    scf.if %cond3A_147 {
      %add3A_243 = arith.constant 30720 : i32
      %add3A_244 = arith.addi %add3A_243, %mul3A_0 : i32
      %add3A_245 = arith.constant 512 : i32
      %add3A_246 = arith.addi %add3A_244, %add3A_245 : i32
      %dma_wait3A = arith.constant 0 : i32
      %dma_wait3A_247 = tpu.memref_slice %arg2[%add3A_246, %dma_wait3A] : memref<32768x768xf32, #tpu.memory_space<hbm>> -> memref<512x768xf32, #tpu.memory_space<hbm>>
      tpu.wait_dma2 semaphore(%arg12 : memref<!tpu.dma_semaphore, #tpu.memory_space<semaphore_mem>>) src(%dma_wait3A_247 : memref<512x768xf32, #tpu.memory_space<hbm>>) dst(%arg7 : memref<512x768xf32, #tpu.memory_space<vmem_shared>>)
    } else {
    }
    %barrier3A_148 = arith.constant 0 : index
    tpu.barrier barrier_id(%barrier3A_148)
    %mul3A_149 = arith.constant 32 : i32
    %mul3A_150 = arith.muli %arg1, %mul3A_149 : i32
    "tpu.region"() ({
      %run_scoped3A = tpu.sem_alloc : memref<!tpu.dma_semaphore, #tpu.memory_space<semaphore_mem>>
      %dma_start3A = arith.constant 0 : i32
      %dma_start3A_243 = tpu.memref_slice %arg7[%mul3A_150, %dma_start3A] : memref<512x768xf32, #tpu.memory_space<vmem_shared>> -> memref<32x768xf32, #tpu.memory_space<vmem_shared>>
      %dma_start3A_244 = arith.constant 0 : i32
      %dma_start3A_245 = tpu.memref_slice %arg7[%mul3A_150, %dma_start3A_244] : memref<512x768xf32, #tpu.memory_space<vmem_shared>> -> memref<32x768xf32, #tpu.memory_space<vmem_shared>>
      tpu.enqueue_dma source(%dma_start3A_245 : memref<32x768xf32, #tpu.memory_space<vmem_shared>>) target(%arg8 : memref<32x768xf32, #tpu.memory_space<vmem>>) target_semaphore(%run_scoped3A : memref<!tpu.dma_semaphore, #tpu.memory_space<semaphore_mem>>)
      %dma_wait3A = arith.constant 0 : i32
      %dma_wait3A_246 = tpu.memref_slice %arg7[%mul3A_150, %dma_wait3A] : memref<512x768xf32, #tpu.memory_space<vmem_shared>> -> memref<32x768xf32, #tpu.memory_space<vmem_shared>>
      %dma_wait3A_247 = arith.constant 0 : i32
      %dma_wait3A_248 = tpu.memref_slice %arg7[%mul3A_150, %dma_wait3A_247] : memref<512x768xf32, #tpu.memory_space<vmem_shared>> -> memref<32x768xf32, #tpu.memory_space<vmem_shared>>
      tpu.wait_dma2 semaphore(%run_scoped3A : memref<!tpu.dma_semaphore, #tpu.memory_space<semaphore_mem>>) src(%dma_wait3A_248 : memref<32x768xf32, #tpu.memory_space<vmem_shared>>) dst(%arg8 : memref<32x768xf32, #tpu.memory_space<vmem>>)
      tpu.yield
    }) : () -> ()
    %parallel_loop3A_151 = arith.constant 0 : i32
    %parallel_loop3A_152 = arith.constant 768 : i32
    %parallel_loop3A_153 = arith.constant 1 : i32
    %parallel_loop3A_154:16 = scf.for %parallel_loop3A_243 = %parallel_loop3A_151 to %parallel_loop3A_152 step %parallel_loop3A_153 iter_args(%parallel_loop3A_244 = %get3A_23, %parallel_loop3A_245 = %get3A_27, %parallel_loop3A_246 = %get3A_31, %parallel_loop3A_247 = %get3A_35, %parallel_loop3A_248 = %get3A_39, %parallel_loop3A_249 = %get3A_43, %parallel_loop3A_250 = %get3A_47, %parallel_loop3A_251 = %get3A_51, %parallel_loop3A_252 = %get3A_23, %parallel_loop3A_253 = %get3A_27, %parallel_loop3A_254 = %get3A_31, %parallel_loop3A_255 = %get3A_35, %parallel_loop3A_256 = %get3A_39, %parallel_loop3A_257 = %get3A_43, %parallel_loop3A_258 = %get3A_47, %parallel_loop3A_259 = %get3A_51) -> (vector<16xf32>, vector<16xf32>, vector<16xf32>, vector<16xf32>, vector<16xf32>, vector<16xf32>, vector<16xf32>, vector<16xf32>, vector<16xf32>, vector<16xf32>, vector<16xf32>, vector<16xf32>, vector<16xf32>, vector<16xf32>, vector<16xf32>, vector<16xf32>)  : i32 {
      %parallel_loop3A_260 = vector.broadcast %parallel_loop3A_243 : i32 to vector<16xi32>
      %parallel_loop3A_261 = arith.addi %iota3A, %parallel_loop3A_260 : vector<16xi32>
      %parallel_loop3A_262 = arith.constant 768 : i32
      %parallel_loop3A_263 = vector.broadcast %parallel_loop3A_262 : i32 to vector<16xi32>
      %parallel_loop3A_264 = arith.cmpi sge, %parallel_loop3A_261, %parallel_loop3A_263 : vector<16xi32>
      %parallel_loop3A_265 = arith.constant 768 : i32
      %parallel_loop3A_266 = vector.broadcast %parallel_loop3A_265 : i32 to vector<16xi32>
      %parallel_loop3A_267 = arith.subi %parallel_loop3A_261, %parallel_loop3A_266 : vector<16xi32>
      %parallel_loop3A_268 = arith.select %parallel_loop3A_264, %parallel_loop3A_267, %parallel_loop3A_261 : vector<16xi1>, vector<16xi32>
      %parallel_loop3A_269 = tpu.vector_load_idx %arg8[%add3A_2, %parallel_loop3A_268] : memref<32x768xf32, #tpu.memory_space<vmem>>[vector<16xi32>, vector<16xi32>], vector<16xf32>,
      %parallel_loop3A_270 = tpu.vector_load_idx %arg8[%add3A_5, %parallel_loop3A_268] : memref<32x768xf32, #tpu.memory_space<vmem>>[vector<16xi32>, vector<16xi32>], vector<16xf32>,
      %parallel_loop3A_271 = tpu.vector_load_idx %arg9[%parallel_loop3A_268, %broadcast_in_dim3A_6] : memref<768x17xf32, #tpu.memory_space<vmem>>[vector<16xi32>, vector<16xi32>], vector<16xf32>,
      %parallel_loop3A_272 = arith.mulf %parallel_loop3A_269, %parallel_loop3A_271 : vector<16xf32>
      %parallel_loop3A_273 = arith.addf %parallel_loop3A_244, %parallel_loop3A_272 : vector<16xf32>
      %parallel_loop3A_274 = arith.mulf %parallel_loop3A_270, %parallel_loop3A_271 : vector<16xf32>
      %parallel_loop3A_275 = arith.addf %parallel_loop3A_252, %parallel_loop3A_274 : vector<16xf32>
      %parallel_loop3A_276 = tpu.vector_load_idx %arg9[%parallel_loop3A_268, %broadcast_in_dim3A_8] : memref<768x17xf32, #tpu.memory_space<vmem>>[vector<16xi32>, vector<16xi32>], vector<16xf32>,
      %parallel_loop3A_277 = arith.mulf %parallel_loop3A_269, %parallel_loop3A_276 : vector<16xf32>
      %parallel_loop3A_278 = arith.addf %parallel_loop3A_245, %parallel_loop3A_277 : vector<16xf32>
      %parallel_loop3A_279 = arith.mulf %parallel_loop3A_270, %parallel_loop3A_276 : vector<16xf32>
      %parallel_loop3A_280 = arith.addf %parallel_loop3A_253, %parallel_loop3A_279 : vector<16xf32>
      %parallel_loop3A_281 = tpu.vector_load_idx %arg9[%parallel_loop3A_268, %broadcast_in_dim3A_10] : memref<768x17xf32, #tpu.memory_space<vmem>>[vector<16xi32>, vector<16xi32>], vector<16xf32>,
      %parallel_loop3A_282 = arith.mulf %parallel_loop3A_269, %parallel_loop3A_281 : vector<16xf32>
      %parallel_loop3A_283 = arith.addf %parallel_loop3A_246, %parallel_loop3A_282 : vector<16xf32>
      %parallel_loop3A_284 = arith.mulf %parallel_loop3A_270, %parallel_loop3A_281 : vector<16xf32>
      %parallel_loop3A_285 = arith.addf %parallel_loop3A_254, %parallel_loop3A_284 : vector<16xf32>
      %parallel_loop3A_286 = tpu.vector_load_idx %arg9[%parallel_loop3A_268, %broadcast_in_dim3A_12] : memref<768x17xf32, #tpu.memory_space<vmem>>[vector<16xi32>, vector<16xi32>], vector<16xf32>,
      %parallel_loop3A_287 = arith.mulf %parallel_loop3A_269, %parallel_loop3A_286 : vector<16xf32>
      %parallel_loop3A_288 = arith.addf %parallel_loop3A_247, %parallel_loop3A_287 : vector<16xf32>
      %parallel_loop3A_289 = arith.mulf %parallel_loop3A_270, %parallel_loop3A_286 : vector<16xf32>
      %parallel_loop3A_290 = arith.addf %parallel_loop3A_255, %parallel_loop3A_289 : vector<16xf32>
      %parallel_loop3A_291 = tpu.vector_load_idx %arg9[%parallel_loop3A_268, %broadcast_in_dim3A_14] : memref<768x17xf32, #tpu.memory_space<vmem>>[vector<16xi32>, vector<16xi32>], vector<16xf32>,
      %parallel_loop3A_292 = arith.mulf %parallel_loop3A_269, %parallel_loop3A_291 : vector<16xf32>
      %parallel_loop3A_293 = arith.addf %parallel_loop3A_248, %parallel_loop3A_292 : vector<16xf32>
      %parallel_loop3A_294 = arith.mulf %parallel_loop3A_270, %parallel_loop3A_291 : vector<16xf32>
      %parallel_loop3A_295 = arith.addf %parallel_loop3A_256, %parallel_loop3A_294 : vector<16xf32>
      %parallel_loop3A_296 = tpu.vector_load_idx %arg9[%parallel_loop3A_268, %broadcast_in_dim3A_16] : memref<768x17xf32, #tpu.memory_space<vmem>>[vector<16xi32>, vector<16xi32>], vector<16xf32>,
      %parallel_loop3A_297 = arith.mulf %parallel_loop3A_269, %parallel_loop3A_296 : vector<16xf32>
      %parallel_loop3A_298 = arith.addf %parallel_loop3A_249, %parallel_loop3A_297 : vector<16xf32>
      %parallel_loop3A_299 = arith.mulf %parallel_loop3A_270, %parallel_loop3A_296 : vector<16xf32>
      %parallel_loop3A_300 = arith.addf %parallel_loop3A_257, %parallel_loop3A_299 : vector<16xf32>
      %parallel_loop3A_301 = tpu.vector_load_idx %arg9[%parallel_loop3A_268, %broadcast_in_dim3A_18] : memref<768x17xf32, #tpu.memory_space<vmem>>[vector<16xi32>, vector<16xi32>], vector<16xf32>,
      %parallel_loop3A_302 = arith.mulf %parallel_loop3A_269, %parallel_loop3A_301 : vector<16xf32>
      %parallel_loop3A_303 = arith.addf %parallel_loop3A_250, %parallel_loop3A_302 : vector<16xf32>
      %parallel_loop3A_304 = arith.mulf %parallel_loop3A_270, %parallel_loop3A_301 : vector<16xf32>
      %parallel_loop3A_305 = arith.addf %parallel_loop3A_258, %parallel_loop3A_304 : vector<16xf32>
      %parallel_loop3A_306 = tpu.vector_load_idx %arg9[%parallel_loop3A_268, %broadcast_in_dim3A_20] : memref<768x17xf32, #tpu.memory_space<vmem>>[vector<16xi32>, vector<16xi32>], vector<16xf32>,
      %parallel_loop3A_307 = arith.mulf %parallel_loop3A_269, %parallel_loop3A_306 : vector<16xf32>
      %parallel_loop3A_308 = arith.addf %parallel_loop3A_251, %parallel_loop3A_307 : vector<16xf32>
      %parallel_loop3A_309 = arith.mulf %parallel_loop3A_270, %parallel_loop3A_306 : vector<16xf32>
      %parallel_loop3A_310 = arith.addf %parallel_loop3A_259, %parallel_loop3A_309 : vector<16xf32>
      scf.yield %parallel_loop3A_273, %parallel_loop3A_278, %parallel_loop3A_283, %parallel_loop3A_288, %parallel_loop3A_293, %parallel_loop3A_298, %parallel_loop3A_303, %parallel_loop3A_308, %parallel_loop3A_275, %parallel_loop3A_280, %parallel_loop3A_285, %parallel_loop3A_290, %parallel_loop3A_295, %parallel_loop3A_300, %parallel_loop3A_305, %parallel_loop3A_310 : vector<16xf32>, vector<16xf32>, vector<16xf32>, vector<16xf32>, vector<16xf32>, vector<16xf32>, vector<16xf32>, vector<16xf32>, vector<16xf32>, vector<16xf32>, vector<16xf32>, vector<16xf32>, vector<16xf32>, vector<16xf32>, vector<16xf32>, vector<16xf32>
    } {sc.loop_unroll_factor = 2 : i64, sc.parallel_access}
    %max3A_155 = arith.maximumf %parallel_loop3A_154#0, %parallel_loop3A_154#1 : vector<16xf32>
    %max3A_156 = arith.maximumf %max3A_155, %parallel_loop3A_154#2 : vector<16xf32>
    %max3A_157 = arith.maximumf %max3A_156, %parallel_loop3A_154#3 : vector<16xf32>
    %max3A_158 = arith.maximumf %max3A_157, %parallel_loop3A_154#4 : vector<16xf32>
    %max3A_159 = arith.maximumf %max3A_158, %parallel_loop3A_154#5 : vector<16xf32>
    %max3A_160 = arith.maximumf %max3A_159, %parallel_loop3A_154#6 : vector<16xf32>
    %max3A_161 = arith.maximumf %max3A_160, %parallel_loop3A_154#7 : vector<16xf32>
    %sub3A_162 = arith.subf %parallel_loop3A_154#0, %max3A_161 : vector<16xf32>
    %exp3A_163 = math.exp %sub3A_162 : vector<16xf32>
    %sub3A_164 = arith.subf %parallel_loop3A_154#1, %max3A_161 : vector<16xf32>
    %exp3A_165 = math.exp %sub3A_164 : vector<16xf32>
    %sub3A_166 = arith.subf %parallel_loop3A_154#2, %max3A_161 : vector<16xf32>
    %exp3A_167 = math.exp %sub3A_166 : vector<16xf32>
    %sub3A_168 = arith.subf %parallel_loop3A_154#3, %max3A_161 : vector<16xf32>
    %exp3A_169 = math.exp %sub3A_168 : vector<16xf32>
    %sub3A_170 = arith.subf %parallel_loop3A_154#4, %max3A_161 : vector<16xf32>
    %exp3A_171 = math.exp %sub3A_170 : vector<16xf32>
    %sub3A_172 = arith.subf %parallel_loop3A_154#5, %max3A_161 : vector<16xf32>
    %exp3A_173 = math.exp %sub3A_172 : vector<16xf32>
    %sub3A_174 = arith.subf %parallel_loop3A_154#6, %max3A_161 : vector<16xf32>
    %exp3A_175 = math.exp %sub3A_174 : vector<16xf32>
    %sub3A_176 = arith.subf %parallel_loop3A_154#7, %max3A_161 : vector<16xf32>
    %exp3A_177 = math.exp %sub3A_176 : vector<16xf32>
    %add3A_178 = arith.addf %exp3A_163, %exp3A_165 : vector<16xf32>
    %add3A_179 = arith.addf %add3A_178, %exp3A_167 : vector<16xf32>
    %add3A_180 = arith.addf %add3A_179, %exp3A_169 : vector<16xf32>
    %add3A_181 = arith.addf %add3A_180, %exp3A_171 : vector<16xf32>
    %add3A_182 = arith.addf %add3A_181, %exp3A_173 : vector<16xf32>
    %add3A_183 = arith.addf %add3A_182, %exp3A_175 : vector<16xf32>
    %add3A_184 = arith.addf %add3A_183, %exp3A_177 : vector<16xf32>
    %div3A_185 = arith.constant 1.000000e+00 : f32
    %div3A_186 = vector.broadcast %div3A_185 : f32 to vector<16xf32>
    %div3A_187 = arith.divf %div3A_186, %add3A_184 : vector<16xf32>
    %mul3A_188 = arith.mulf %exp3A_163, %div3A_187 : vector<16xf32>
    tpu.vector_store_idx %arg11[%add3A_2, %broadcast_in_dim3A_6], %mul3A_188 : memref<32x8xf32, #tpu.memory_space<vmem>>[vector<16xi32>, vector<16xi32>], vector<16xf32>,
    %mul3A_189 = arith.mulf %exp3A_165, %div3A_187 : vector<16xf32>
    tpu.vector_store_idx %arg11[%add3A_2, %broadcast_in_dim3A_8], %mul3A_189 : memref<32x8xf32, #tpu.memory_space<vmem>>[vector<16xi32>, vector<16xi32>], vector<16xf32>,
    %mul3A_190 = arith.mulf %exp3A_167, %div3A_187 : vector<16xf32>
    tpu.vector_store_idx %arg11[%add3A_2, %broadcast_in_dim3A_10], %mul3A_190 : memref<32x8xf32, #tpu.memory_space<vmem>>[vector<16xi32>, vector<16xi32>], vector<16xf32>,
    %mul3A_191 = arith.mulf %exp3A_169, %div3A_187 : vector<16xf32>
    tpu.vector_store_idx %arg11[%add3A_2, %broadcast_in_dim3A_12], %mul3A_191 : memref<32x8xf32, #tpu.memory_space<vmem>>[vector<16xi32>, vector<16xi32>], vector<16xf32>,
    %mul3A_192 = arith.mulf %exp3A_171, %div3A_187 : vector<16xf32>
    tpu.vector_store_idx %arg11[%add3A_2, %broadcast_in_dim3A_14], %mul3A_192 : memref<32x8xf32, #tpu.memory_space<vmem>>[vector<16xi32>, vector<16xi32>], vector<16xf32>,
    %mul3A_193 = arith.mulf %exp3A_173, %div3A_187 : vector<16xf32>
    tpu.vector_store_idx %arg11[%add3A_2, %broadcast_in_dim3A_16], %mul3A_193 : memref<32x8xf32, #tpu.memory_space<vmem>>[vector<16xi32>, vector<16xi32>], vector<16xf32>,
    %mul3A_194 = arith.mulf %exp3A_175, %div3A_187 : vector<16xf32>
    tpu.vector_store_idx %arg11[%add3A_2, %broadcast_in_dim3A_18], %mul3A_194 : memref<32x8xf32, #tpu.memory_space<vmem>>[vector<16xi32>, vector<16xi32>], vector<16xf32>,
    %mul3A_195 = arith.mulf %exp3A_177, %div3A_187 : vector<16xf32>
    tpu.vector_store_idx %arg11[%add3A_2, %broadcast_in_dim3A_20], %mul3A_195 : memref<32x8xf32, #tpu.memory_space<vmem>>[vector<16xi32>, vector<16xi32>], vector<16xf32>,
    %max3A_196 = arith.maximumf %parallel_loop3A_154#8, %parallel_loop3A_154#9 : vector<16xf32>
    %max3A_197 = arith.maximumf %max3A_196, %parallel_loop3A_154#10 : vector<16xf32>
    %max3A_198 = arith.maximumf %max3A_197, %parallel_loop3A_154#11 : vector<16xf32>
    %max3A_199 = arith.maximumf %max3A_198, %parallel_loop3A_154#12 : vector<16xf32>
    %max3A_200 = arith.maximumf %max3A_199, %parallel_loop3A_154#13 : vector<16xf32>
    %max3A_201 = arith.maximumf %max3A_200, %parallel_loop3A_154#14 : vector<16xf32>
    %max3A_202 = arith.maximumf %max3A_201, %parallel_loop3A_154#15 : vector<16xf32>
    %sub3A_203 = arith.subf %parallel_loop3A_154#8, %max3A_202 : vector<16xf32>
    %exp3A_204 = math.exp %sub3A_203 : vector<16xf32>
    %sub3A_205 = arith.subf %parallel_loop3A_154#9, %max3A_202 : vector<16xf32>
    %exp3A_206 = math.exp %sub3A_205 : vector<16xf32>
    %sub3A_207 = arith.subf %parallel_loop3A_154#10, %max3A_202 : vector<16xf32>
    %exp3A_208 = math.exp %sub3A_207 : vector<16xf32>
    %sub3A_209 = arith.subf %parallel_loop3A_154#11, %max3A_202 : vector<16xf32>
    %exp3A_210 = math.exp %sub3A_209 : vector<16xf32>
    %sub3A_211 = arith.subf %parallel_loop3A_154#12, %max3A_202 : vector<16xf32>
    %exp3A_212 = math.exp %sub3A_211 : vector<16xf32>
    %sub3A_213 = arith.subf %parallel_loop3A_154#13, %max3A_202 : vector<16xf32>
    %exp3A_214 = math.exp %sub3A_213 : vector<16xf32>
    %sub3A_215 = arith.subf %parallel_loop3A_154#14, %max3A_202 : vector<16xf32>
    %exp3A_216 = math.exp %sub3A_215 : vector<16xf32>
    %sub3A_217 = arith.subf %parallel_loop3A_154#15, %max3A_202 : vector<16xf32>
    %exp3A_218 = math.exp %sub3A_217 : vector<16xf32>
    %add3A_219 = arith.addf %exp3A_204, %exp3A_206 : vector<16xf32>
    %add3A_220 = arith.addf %add3A_219, %exp3A_208 : vector<16xf32>
    %add3A_221 = arith.addf %add3A_220, %exp3A_210 : vector<16xf32>
    %add3A_222 = arith.addf %add3A_221, %exp3A_212 : vector<16xf32>
    %add3A_223 = arith.addf %add3A_222, %exp3A_214 : vector<16xf32>
    %add3A_224 = arith.addf %add3A_223, %exp3A_216 : vector<16xf32>
    %add3A_225 = arith.addf %add3A_224, %exp3A_218 : vector<16xf32>
    %div3A_226 = arith.constant 1.000000e+00 : f32
    %div3A_227 = vector.broadcast %div3A_226 : f32 to vector<16xf32>
    %div3A_228 = arith.divf %div3A_227, %add3A_225 : vector<16xf32>
    %mul3A_229 = arith.mulf %exp3A_204, %div3A_228 : vector<16xf32>
    tpu.vector_store_idx %arg11[%add3A_5, %broadcast_in_dim3A_6], %mul3A_229 : memref<32x8xf32, #tpu.memory_space<vmem>>[vector<16xi32>, vector<16xi32>], vector<16xf32>,
    %mul3A_230 = arith.mulf %exp3A_206, %div3A_228 : vector<16xf32>
    tpu.vector_store_idx %arg11[%add3A_5, %broadcast_in_dim3A_8], %mul3A_230 : memref<32x8xf32, #tpu.memory_space<vmem>>[vector<16xi32>, vector<16xi32>], vector<16xf32>,
    %mul3A_231 = arith.mulf %exp3A_208, %div3A_228 : vector<16xf32>
    tpu.vector_store_idx %arg11[%add3A_5, %broadcast_in_dim3A_10], %mul3A_231 : memref<32x8xf32, #tpu.memory_space<vmem>>[vector<16xi32>, vector<16xi32>], vector<16xf32>,
    %mul3A_232 = arith.mulf %exp3A_210, %div3A_228 : vector<16xf32>
    tpu.vector_store_idx %arg11[%add3A_5, %broadcast_in_dim3A_12], %mul3A_232 : memref<32x8xf32, #tpu.memory_space<vmem>>[vector<16xi32>, vector<16xi32>], vector<16xf32>,
    %mul3A_233 = arith.mulf %exp3A_212, %div3A_228 : vector<16xf32>
    tpu.vector_store_idx %arg11[%add3A_5, %broadcast_in_dim3A_14], %mul3A_233 : memref<32x8xf32, #tpu.memory_space<vmem>>[vector<16xi32>, vector<16xi32>], vector<16xf32>,
    %mul3A_234 = arith.mulf %exp3A_214, %div3A_228 : vector<16xf32>
    tpu.vector_store_idx %arg11[%add3A_5, %broadcast_in_dim3A_16], %mul3A_234 : memref<32x8xf32, #tpu.memory_space<vmem>>[vector<16xi32>, vector<16xi32>], vector<16xf32>,
    %mul3A_235 = arith.mulf %exp3A_216, %div3A_228 : vector<16xf32>
    tpu.vector_store_idx %arg11[%add3A_5, %broadcast_in_dim3A_18], %mul3A_235 : memref<32x8xf32, #tpu.memory_space<vmem>>[vector<16xi32>, vector<16xi32>], vector<16xf32>,
    %mul3A_236 = arith.mulf %exp3A_218, %div3A_228 : vector<16xf32>
    tpu.vector_store_idx %arg11[%add3A_5, %broadcast_in_dim3A_20], %mul3A_236 : memref<32x8xf32, #tpu.memory_space<vmem>>[vector<16xi32>, vector<16xi32>], vector<16xf32>,
    %add3A_237 = arith.constant 512 : i32
    %add3A_238 = arith.addi %mul3A_0, %add3A_237 : i32
    %mul3A_239 = arith.constant 32 : i32
    %mul3A_240 = arith.muli %arg1, %mul3A_239 : i32
    %add3A_241 = arith.addi %add3A_238, %mul3A_240 : i32
    "tpu.region"() ({
      %run_scoped3A = tpu.sem_alloc : memref<!tpu.dma_semaphore, #tpu.memory_space<semaphore_mem>>
      %dma_start3A = arith.constant 0 : i32
      %dma_start3A_243 = tpu.memref_slice %arg5[%add3A_241, %dma_start3A] : memref<2048x8xf32, #tpu.memory_space<hbm>> -> memref<32x8xf32, #tpu.memory_space<hbm>>
      %dma_start3A_244 = arith.constant 0 : i32
      %dma_start3A_245 = tpu.memref_slice %arg5[%add3A_241, %dma_start3A_244] : memref<2048x8xf32, #tpu.memory_space<hbm>> -> memref<32x8xf32, #tpu.memory_space<hbm>>
      tpu.enqueue_dma source(%arg11 : memref<32x8xf32, #tpu.memory_space<vmem>>) target(%dma_start3A_245 : memref<32x8xf32, #tpu.memory_space<hbm>>) target_semaphore(%run_scoped3A : memref<!tpu.dma_semaphore, #tpu.memory_space<semaphore_mem>>)
      %dma_wait3A = arith.constant 0 : i32
      %dma_wait3A_246 = tpu.memref_slice %arg5[%add3A_241, %dma_wait3A] : memref<2048x8xf32, #tpu.memory_space<hbm>> -> memref<32x8xf32, #tpu.memory_space<hbm>>
      %dma_wait3A_247 = arith.constant 0 : i32
      %dma_wait3A_248 = tpu.memref_slice %arg5[%add3A_241, %dma_wait3A_247] : memref<2048x8xf32, #tpu.memory_space<hbm>> -> memref<32x8xf32, #tpu.memory_space<hbm>>
      tpu.wait_dma2 semaphore(%run_scoped3A : memref<!tpu.dma_semaphore, #tpu.memory_space<semaphore_mem>>) src(%arg11 : memref<32x8xf32, #tpu.memory_space<vmem>>) dst(%dma_wait3A_248 : memref<32x8xf32, #tpu.memory_space<hbm>>)
      tpu.yield
    }) : () -> ()
    %barrier3A_242 = arith.constant 0 : index
    tpu.barrier barrier_id(%barrier3A_242)
    return
  }
}

module attributes {stable_mosaic.version = 14 : i64} {
  func.func @_tc_body(%arg0: i32, %arg1: memref<2048x768xf32, #tpu.memory_space<vmem>>, %arg2: memref<768x8xf32, #tpu.memory_space<vmem>>, %arg3: memref<1x8xf32, #tpu.memory_space<vmem>>, %arg4: memref<8x2048xf32, #tpu.memory_space<vmem>>) attributes {dimension_semantics = [#tpu.dimension_semantics<arbitrary>], iteration_bounds = array<i64: 15>, scalar_prefetch = 0 : i64, scratch_operands = 0 : i64, tpu.core_type = #tpu.core_type<tc>, window_params = [{transform_indices = @transform_0, window_bounds = array<i64: 2048, 768>}, {pipeline_mode = #tpu.pipeline_mode<synchronous>, transform_indices = @transform_1, window_bounds = array<i64: 768, 8>}, {pipeline_mode = #tpu.pipeline_mode<synchronous>, transform_indices = @transform_2, window_bounds = array<i64: 1, 8>}, {transform_indices = @transform_3, window_bounds = array<i64: 8, 2048>}]} {
    %get3A = arith.constant 0 : index
    %get3A_0 = arith.constant 0 : index
    %get3A_1 = vector.load %arg1[%get3A, %get3A_0] : memref<2048x768xf32, #tpu.memory_space<vmem>>, vector<2048x768xf32>
    %convert_element_type3A = arith.truncf %get3A_1 : vector<2048x768xf32> to vector<2048x768xbf16>
    %get3A_2 = arith.constant 0 : index
    %get3A_3 = arith.constant 0 : index
    %get3A_4 = vector.load %arg2[%get3A_2, %get3A_3] : memref<768x8xf32, #tpu.memory_space<vmem>>, vector<768x8xf32>
    %convert_element_type3A_5 = arith.truncf %get3A_4 : vector<768x8xf32> to vector<768x8xbf16>
    %dot_general3A = arith.constant dense<0.000000e+00> : vector<2048x8xf32>
    %dot_general3A_6 = tpu.matmul %convert_element_type3A, %convert_element_type3A_5, %dot_general3A {dimension_numbers = #tpu.dot_dimension_numbers<[1], [0], [0], [1], [0, 0, 1, 1], [], []>, transpose_lhs_hint = false} : vector<2048x768xbf16>, vector<768x8xbf16>, vector<2048x8xf32> -> vector<2048x8xf32>
    %get3A_7 = arith.constant 0 : index
    %get3A_8 = arith.constant 0 : index
    %get3A_9 = vector.load %arg3[%get3A_7, %get3A_8] : memref<1x8xf32, #tpu.memory_space<vmem>>, vector<1x8xf32>
    %add3A = vector.broadcast %get3A_9 : vector<1x8xf32> to vector<2048x8xf32>
    %add3A_10 = arith.addf %dot_general3A_6, %add3A : vector<2048x8xf32>
    %reduce_max3A = arith.constant dense<0xFF800000> : vector<2048xf32>
    %reduce_max3A_11 = vector.multi_reduction <maximumf>, %add3A_10, %reduce_max3A [1] : vector<2048x8xf32> to vector<2048xf32>
    %broadcast_in_dim3A = vector.shape_cast %reduce_max3A_11 : vector<2048xf32> to vector<2048x1xf32>
    %sub3A = vector.broadcast %broadcast_in_dim3A : vector<2048x1xf32> to vector<2048x8xf32>
    %sub3A_12 = arith.subf %add3A_10, %sub3A : vector<2048x8xf32>
    %exp3A = math.exp %sub3A_12 : vector<2048x8xf32>
    %reduce_sum3A = arith.constant dense<0.000000e+00> : vector<2048xf32>
    %reduce_sum3A_13 = vector.multi_reduction <add>, %exp3A, %reduce_sum3A [1] : vector<2048x8xf32> to vector<2048xf32>
    %broadcast_in_dim3A_14 = vector.shape_cast %reduce_sum3A_13 : vector<2048xf32> to vector<2048x1xf32>
    %div3A = vector.broadcast %broadcast_in_dim3A_14 : vector<2048x1xf32> to vector<2048x8xf32>
    %div3A_15 = arith.divf %exp3A, %div3A : vector<2048x8xf32>
    %transpose3A = tpu.transpose %div3A_15, [1, 0] : vector<2048x8xf32> -> vector<8x2048xf32>
    %swap3A = arith.constant 0 : index
    %swap3A_16 = arith.constant 0 : index
    %swap3A_17 = vector.load %arg4[%swap3A, %swap3A_16] : memref<8x2048xf32, #tpu.memory_space<vmem>>, vector<8x2048xf32>
    tpu.vector_store %arg4[%swap3A, %swap3A_16], %transpose3A {strides = array<i32>} : memref<8x2048xf32, #tpu.memory_space<vmem>>, vector<8x2048xf32>,
    return
  }
  func.func @transform_0(%arg0: i32) -> (i32, i32) {
    %c0_i32 = arith.constant 0 : i32
    %c0_i32_0 = arith.constant 0 : i32
    return %arg0, %c0_i32 : i32, i32
  }
  func.func @transform_1(%arg0: i32) -> (i32, i32) {
    %c0_i32 = arith.constant 0 : i32
    %c0_i32_0 = arith.constant 0 : i32
    %c0_i32_1 = arith.constant 0 : i32
    return %c0_i32, %c0_i32_0 : i32, i32
  }
  func.func @transform_2(%arg0: i32) -> (i32, i32) {
    %c0_i32 = arith.constant 0 : i32
    %c0_i32_0 = arith.constant 0 : i32
    %c0_i32_1 = arith.constant 0 : i32
    return %c0_i32, %c0_i32_0 : i32, i32
  }
  func.func @transform_3(%arg0: i32) -> (i32, i32) {
    %c0_i32 = arith.constant 0 : i32
    %c0_i32_0 = arith.constant 0 : i32
    return %c0_i32, %arg0 : i32, i32
  }
}

</mosaic_0001>

<sc_bundles>
// kernel: kernel.4.cloned.1.call-start
scs
__scs_entry_jumppad:
0x0: {  	(pc) =	sbr.rel $0x88, $3  }
0x1: {  	(tag) =	ssettag $0x0;
	lr =	simm.s32 $0x1  }
0x2: {  	[smem:$0x3F9E] =	sst lr;
	_ =	strace $0xD0000000  }
0x3: {  	_ = 	snop  }
0x4: {  	_ = 	snop  }
0x5: {  	_ = 	snop  }
0x6: {  	_ = 	snop  }
0x7: {  	_ = 	snop  }
__scs_overlays_trampoline_lowered:
0x8: {  	[smem:$0x3FAD] =	sst s0  }
0x9: {  	[smem:$0x3FAE] =	sst s1  }
0xa: {  	[smem:$0x3FAF] =	sst s2  }
0xb: {  	[smem:$0x3FB0] =	sst s3  }
0xc: {  	[smem:$0x3FB1] =	sst s4  }
0xd: {  	[smem:$0x3FB2] =	sst s5  }
0xe: {  	[smem:$0x3FB3] =	sst s6  }
0xf: {  	[smem:$0x3FB4] =	sst s7  }
0x10: {  	[smem:$0x3FB5] =	sst s8  }
0x11: {  	[smem:$0x3FB6] =	sst s9;
	s0 =	simm.s32 @!p0 $0x0  }
0x12: {  	s1 =	sld [smem:$0x3F9C];
	s0 =	simm.s32 @p0 $0x1  }
0x13: {  	[smem:$0x3FB7] =	sst s0;
	s0 =	simm.s32 @!p1 $0x0  }
0x14: {  	s2 =	sld [smem:$0x3F9B];
	s0 =	simm.s32 @p1 $0x1  }
0x15: {  	[smem:$0x3FB8] =	sst s0;
	s0 =	simm.s32 @!p2 $0x0  }
0x16: {  	s3 =	sld [smem:$0x3FDB];
	s0 =	simm.s32 @p2 $0x1  }
0x17: {  	s4 =	simm.s32 $0x1BF5;
	[smem:$0x3FBA] =	sst s0  }
0x18: {  	s0 =	sld [smem:$0x3F9D];
	_ =	swait.ge [sflag:s4], $0x0  }
0x19: {  	s7 =	sld [smem:$0x3F9E]  }
0x1a: {  	s8 =	sadd.s32 $0xFFFFE003, lr  }
0x1b: {  	s9 =	sadd.s32 $0xFFFFFEF7, lr;
	s5 =	simm.s32 $0xFFFFFFFF;
	p2 =	slt.u32 s8, $0xFFFFF086  }
0x1c: {  	p1 =	slt.u32 s9, $0xF7A;
	s5 =	simm.s32 @!p2 $0x0  }
0x1d: {  	s5 =	simm.s32 @p1 $0x1;
	p0 =	seq.s32 s7, s2  }
0x1e: {  	s7 =	smul.u32 @!p0 $0xF7A, s2;
	p2 =	seq.s32 @!p0 s5, $0x0  }
0x1f: {  	s9 =	smul.u32 $0xF7A, s1;
	s8 =	simm.s32 @!p0 $0x1BF5;
	p2 =	por !p2, p0  }
0x20: {  	[sflag:s8] =	ssyncset.s32 @!p0 $0xFFFFF086;
	s6 =	sadd.s32 @!p0 s3, s7;
	s7 =	simm.s32 @!p0 $0x108  }
0x21: {  	s3 =	sadd.s32 s3, s9;
	s6 =	sadd.s32 @!p0 $0x88, s6;
	s7 =	simm.s32 @p2 $0x1082  }
0x22: {  	[simem:s7], [sflag:s8] =	dma.local @!p0 [hbm:s6], $0xF7A  }
0x23: {  	s9 =	sor.u32 $0xD0000000, s2;
	s6 =	simm.s32 $0x108;
	_ =	swait.ge @!p0 [sflag:s8], $0x0  }
0x24: {  	s3 =	sadd.s32 $0x88, s3;
	s6 =	simm.s32 @!p1 $0x1082;
	[sflag:s4] =	ssyncset.s32 $0xFFFFF086  }
0x25: {  	[simem:s6], [sflag:s4] =	dma.local [hbm:s3], $0xF7A  }
0x26: {  	[smem:$0x3F9E] =	sst s1;
	(tag) =	ssettag s2;
	_ =	strace s9  }
0x27: {  	s1 =	sld [smem:$0x3FAE]  }
0x28: {  	s2 =	sld [smem:$0x3FAF]  }
0x29: {  	s4 =	sld [smem:$0x3FB1]  }
0x2a: {  	p0 =	seq.s32 s5, $0x0;
	s5 =	sld [smem:$0x3FB2]  }
0x2b: {  	s6 =	sld [smem:$0x3FB3]  }
0x2c: {  	s7 =	sld [smem:$0x3FB4]  }
0x2d: {  	s3 =	simm.s32 $0x108;
	s8 =	sld [smem:$0x3FB5]  }
0x2e: {  	s3 =	simm.s32 @!p0 $0x1082;
	s9 =	sld [smem:$0x3FB6]  }
0x2f: {  	lr =	sadd.s32 s0, s3;
	s0 =	sld [smem:$0x3FAD]  }
0x30: {  	s3 =	sld [smem:$0x3FB0]  }
0x31: {  	[smem:$0x3FB9] =	sst s10  }
0x32: {  	s10 =	sld [smem:$0x3FB7];
	_ =	sdelay $0x3  }
0x33: {  	p0 =	seq.s32 s10, $0x1;
	s10 =	sld [smem:$0x3FB9];
	_ =	sdelay $0x3  }
0x34: {  	[smem:$0x3FB9] =	sst s10  }
0x35: {  	s10 =	sld [smem:$0x3FB8];
	_ =	sdelay $0x3  }
0x36: {  	p1 =	seq.s32 s10, $0x1;
	s10 =	sld [smem:$0x3FB9];
	_ =	sdelay $0x3  }
0x37: {  	[smem:$0x3FB9] =	sst s10  }
0x38: {  	s10 =	sld [smem:$0x3FBA]  }
0x39: {  	_ = 	snop;
	(pc) =	sbr.ind lr, $3  }
0x3a: {  	_ = 	snop  }
0x3b: {  	_ = 	snop  }
0x3c: {  	p2 =	seq.s32 s10, $0x1;
	s10 =	sld [smem:$0x3FB9]  }
0x3d: {  	_ =	shalt  }
0x3e: {  	_ =	shalt  }
0x3f: {  	_ =	shalt  }
0x40: {  	_ =	shalt  }
0x41: {  	_ =	shalt  }
0x42: {  	_ =	shalt  }
0x43: {  	_ =	shalt  }
0x44: {  	_ =	shalt  }
0x45: {  	_ =	shalt  }
0x46: {  	_ =	shalt  }
0x47: {  	_ =	shalt  }
0x48: {  	_ =	shalt  }
0x49: {  	_ =	shalt  }
0x4a: {  	_ =	shalt  }
0x4b: {  	_ =	shalt  }
0x4c: {  	_ =	shalt  }
0x4d: {  	_ =	shalt  }
0x4e: {  	_ =	shalt  }
0x4f: {  	_ =	shalt  }
0x50: {  	_ =	shalt  }
0x51: {  	_ =	shalt  }
0x52: {  	_ =	shalt  }
0x53: {  	_ =	shalt  }
0x54: {  	_ =	shalt  }
0x55: {  	_ =	shalt  }
0x56: {  	_ =	shalt  }
0x57: {  	_ =	shalt  }
0x58: {  	_ =	shalt  }
0x59: {  	_ =	shalt  }
0x5a: {  	_ =	shalt  }
0x5b: {  	_ =	shalt  }
0x5c: {  	_ =	shalt  }
0x5d: {  	_ =	shalt  }
0x5e: {  	_ =	shalt  }
0x5f: {  	_ =	shalt  }
0x60: {  	_ =	shalt  }
0x61: {  	_ =	shalt  }
0x62: {  	_ =	shalt  }
0x63: {  	_ =	shalt  }
0x64: {  	_ =	shalt  }
0x65: {  	_ =	shalt  }
0x66: {  	_ =	shalt  }
0x67: {  	_ =	shalt  }
0x68: {  	_ =	shalt  }
0x69: {  	_ =	shalt  }
0x6a: {  	_ =	shalt  }
0x6b: {  	_ =	shalt  }
0x6c: {  	_ =	shalt  }
0x6d: {  	_ =	shalt  }
0x6e: {  	_ =	shalt  }
0x6f: {  	_ =	shalt  }
0x70: {  	_ =	shalt  }
0x71: {  	_ =	shalt  }
0x72: {  	_ =	shalt  }
0x73: {  	_ =	shalt  }
0x74: {  	_ =	shalt  }
0x75: {  	_ =	shalt  }
0x76: {  	_ =	shalt  }
0x77: {  	_ =	shalt  }
0x78: {  	_ =	shalt  }
0x79: {  	_ =	shalt  }
0x7a: {  	_ =	shalt  }
0x7b: {  	_ =	shalt  }
0x7c: {  	_ =	shalt  }
0x7d: {  	_ =	shalt  }
0x7e: {  	_ =	shalt  }
0x7f: {  	_ =	shalt  }
0x80: {  	_ =	shalt  }
0x81: {  	_ =	shalt  }
0x82: {  	_ =	shalt  }
0x83: {  	_ =	shalt  }
0x84: {  	_ =	shalt  }
0x85: {  	_ =	shalt  }
0x86: {  	_ =	shalt  }
0x87: {  	_ =	shalt  }
.Lfunc_end0:
.L_simem_size_0:
called_computation_lowered:
.L_overlay_start_0:
0x88: {  	s2 =	sld [smem:$0x3FD9]  }
0x89: {  	s3 =	sld [smem:$0x3FFE];
	_ =	sdelay $0x1  }
0x8a: {  	s1 =	srdreg.scid  }
0x8b: {  	s0 =	sand.u32 $0x1, s1  }
0x8c: {  	s17 =	sshll.u32 s0, $0xA;
	s2 =	sadd.s32 s3, s2  }
0x8d: {  	s2 =	sadd.s32 s2, s17  }
0x8e: {  	[smem:$0x3FC5] =	sst s2  }
0x8f: {  	_ = 	snop  }
0x90: {  	s2 =	sld [smem:$0x3FD0];
	(tm) =	ssettm $0x1  }
0x91: {  	s18 =	sld [smem:$0x3FFB];
	_ =	sdelay $0x3  }
0x92: {  	_ =	strace s18  }
0x93: {  	s3 =	sld [smem:$0x3FFC];
	_ =	sdelay $0x3  }
0x94: {  	_ =	strace s3  }
0x95: {  	s3 =	sld [smem:$0x3FFD];
	_ =	sdelay $0x3  }
0x96: {  	_ =	strace s3  }
0x97: {  	_ =	strace $0x8FFFFFFF  }
0x98: {  	s19 =	sld [smem:$0x3FDB];
	_ =	sdelay $0x1  }
0x99: {  	s4 =	simm.s32 $_scs_section_size  }
0x9a: {  	s5 =	simm.s32 $_size__tile_overlayer_lowered;
	s6 =	simm.s32 $_tile_overlayer_lowered  }
0x9b: {  	s22 =	simm.s32 $0x1BFF;
	s21 =	sshll.u32 s6, $0x1;
	s3 =	sadd.s32 s4, s19  }
0x9c: {  	s7 =	simm.s32 $0x0;
	s20 =	sshll.u32 s5, $0x1;
	s5 =	sadd.s32 s21, s3  }
0x9d: {  	[timem:s7], [sflag:s22] =	dma.local [hbm:s5], s20  }
0x9e: {  	_ =	swait.ge [sflag:s22], s20  }
0x9f: {  	s4 =	ssub.s32 $0x0, s20;
	[sflag:s22] =	ssyncset.done $0x0  }
0xa0: {  	[sflag:s22] =	ssyncadd.s32 s4;
	_ =	sdelay $0x1  }
0xa1: {  	s23 =	simm.s32 $0x1B8B  }
0xa2: {  	_ =	swait.ge [sflag:s23], $0x1  }
0xa3: {  	[sflag:s23] =	ssyncset.done $0x0  }
0xa4: {  	s25 =	simm.s32 $0x1B8E;
	s24 =	sld [smem:$0x3FFE];
	[sflag:s23] =	ssyncadd.s32 $0xFFFFFFFF  }
0xa5: {  	s26 =	simm.s32 $execute0_lowered;
	[smem:$0x3FD2] =	sst s25  }
0xa6: {  	s5 =	sshll.u32 s26, $0x1;
	_ =	strace $0x80000046;
	[dreg:$0x1] =	wrdreg $0xFFFFFFFF  }
0xa7: {  	s28 =	simm.s32 $_size_execute0_lowered;
	s3 =	sadd.s32 s3, s5;
	[dreg:$0x0] =	wrdreg $0x0  }
0xa8: {  	s5 =	sshll.u32 s28, $0x1;
	[dreg:$0x2] =	wrdreg s3  }
0xa9: {  	[dreg:$0x3] =	wrdreg s5  }
0xaa: {  	[dreg:$0x4] =	wrdreg $0xC0  }
0xab: {  	_ =	task [dreg:s7], $0x5FFFF  }
0xac: {  	[dreg:$0x1] =	wrdreg $0xFFFFFFFF  }
0xad: {  	[dreg:$0x0] =	wrdreg $0x60  }
0xae: {  	[dreg:$0x2] =	wrdreg s24  }
0xaf: {  	[dreg:$0x3] =	wrdreg s2  }
0xb0: {  	[dreg:$0x4] =	wrdreg $0x0  }
0xb1: {  	[dreg:$0x5] =	wrdreg $0x60000  }
0xb2: {  	[dreg:$0x6] =	wrdreg $0x9  }
0xb3: {  	_ =	task.clear_ibuf [dreg:s7], $0x7FFFF;
	_ =	strace $0x90000046  }
0xb4: {  	s29 =	simm.s32 $0x9;
	_ =	strace $0x80000048  }
0xb5: {  	_ =	swait.ge [sflag:s29], $0x1  }
0xb6: {  	[sflag:s29] =	ssyncadd.s32 $0xFFFFFFFF  }
0xb7: {  	_ =	strace $0x90000048  }
0xb8: {  	_ =	sfence  }
0xb9: {  	s30 =	sld [smem:$0x0];
	_ =	sdelay $0x2  }
0xba: {  	s31 =	sshll.u32 s1, $0xD;
	s1 =	sshrl.u32 s1, $0x2  }
0xbb: {  	s3 =	sand.u32 $0x4000, s31;
	s1 =	sadd.s32 s1, s30  }
0xbc: {  	s0 =	sor.u32 s3, s0;
	s1 =	sshll.u32 s1, $0x11  }
0xbd: {  	s0 =	sor.u32 s1, s0  }
0xbe: {  	s0 =	sadd.s32 $0x8F2B, s0  }
0xbf: {  	[sflag:s0] =	ssyncadd.remote.s32 $0x1  }
0xc0: {  	_ =	sfence.sel $0xFFFF  }
0xc1: {  	[dreg:$0x0] =	wrdreg $0xFFFFFFFF;
	(pc) =	sbr.abs _section_cstart, $3  }
0xc2: {  	[dreg:$0x1] =	wrdreg $0xFFFFFFFF  }
0xc3: {  	_ =	task.clear_ibuf [dreg:s7], $0x2FFFF;
	_ =	strace $0x9FFFFFFF  }
0xc4: {  	(tm) =	ssettm $0x7FFFFFFF  }
0xc5: {  	_ =	shalt  }
tec
execute0_lowered:
.L_overlay_start_1:
0x0: {  	(tag) =	ssettag $0x1  }
0x1: {  	s4 =	rddreg [dreg:$0x0]  }
0x2: {  	s0 =	rddreg [dreg:$0x1]  }
0x3: {  	s14 =	rddreg [dreg:$0x2];
	v58 =	vlaneseq.u32  }
0x4: {  	s1 =	srdreg.scid;
	s15 =	rddreg [dreg:$0x3];
	s2 =	simm.s32 $0x0;
	v0 =	vmul.u32 $0x8, v58  }
0x5: {  	s11 =	stileid.u32;
	[smem:$0x7FF] =	sst s2;
	v59 =	vmul.u32 $0x300, v58  }
0x6: {  	s5 =	sand.u32 $0x1, s1;
	s1 =	rddreg [dreg:$0x4];
	_ =	strace $0x80000047;
	[tilespmem:$0x1FFD0] =	vst v0  }
0x7: {  	s16 =	simm.s32 $0xC000;
	s17 =	simm.s32 $0x16880;
	s18 =	simm.s32 $0x0;
	v1 =	vor.u32 $0x1, v0;
	[tilespmem:$0x1FFF0] =	vst v59  }
0x8: {  	s8 =	sadd.s32 $0x300800, s4;
	s9 =	sshll.u32 s11, $0x5;
	s12 =	smul.u32 $0x6000, s11;
	[tilespmem:$0x1FF50] =	vst v1;
	v1 =	vor.u32 $0x2, v0  }
0x9: {  	p0 =	sne.s32 s11, $0x0;
	s11 =	simm.s32 $0x12000;
	s3 =	smul.u32 $0xC0000, s5;
	[tilespmem:$0x1FF60] =	vst v1;
	v1 =	vor.u32 $0x3, v0  }
0xa: {  	s7 =	ssub.s32 $0x2, s5;
	s31 =	sshll.u32 s5, $0xA;
	s13 =	sadd.s32 s8, s9;
	[tilespmem:$0x1FF70] =	vst v1;
	v1 =	vor.u32 $0x4, v0  }
0xb: {  	s30 =	sshrl.u32 s7, $0x1;
	s9 =	sor.u32 s9, s31;
	s3 =	sshrl.u32 s3, $0x3;
	[tilespmem:$0x1FF80] =	vst v1;
	v1 =	vor.u32 $0x5, v0  }
0xc: {  	s10 =	ssub.s32 s7, s30;
	s7 =	sadd.s32 s31, s13;
	s9 =	sadd.s32 s9, s8;
	[tilespmem:$0x1FF90] =	vst v1;
	v1 =	vor.u32 $0x6, v0  }
0xd: {  	s8 =	sadd.s32 s12, s15;
	s13 =	simm.s32 $0x16800;
	s15 =	sshrl.u32 @!p0 s15, $0x3;
	[tilespmem:$0x1FFA0] =	vst v1;
	v1 =	vor.u32 $0x7, v0  }
0xe: {  	s6 =	sadd.s32 s3, s4;
	s3 =	sadd.s32 $0x300600, s4;
	s9 =	sadd.s32 $0x200, s9;
	[tilespmem:$0x1FFB0] =	vst v1;
	v1 =	vor.u32 $0x80, v0  }
0xf: {  	s10 =	smax.u32 s10, $0x1;
	s4 =	sadd.s32 $0x2D0600, s6;
	s5 =	sadd.s32 $0x2DC600, s6;
	v0 =	vor.u32 $0x81, v0;
	[tilespmem:$0x1FFC0] =	vst v1  }
0x10: {  	v3 =	vor.u32 $0xFFFFFD00, v58;
	v4 =	vadd.s32 $0x3000, v59;
	s6 =	sadd.s32 s12, s14;
	s12 =	simm.s32 $0x2;
	s14 =	sshrl.u32 @!p0 s14, $0x3;
	[tilespmem:$0x1FFE0] =	vst v0  }
.LBB2_1:
0x11: {  	[tilespmem:s11], [sflag:$0x2] =	stream.linear.gather [hbm4b:s0+s2], $0x4800, $0x38;
	[tilespmem:$0x16980] =	vst v63  }
0x12: {  	_ =	swait.ge [sflag:s12], $0x4800  }
0x13: {  	[sflag:s12] =	ssyncset.done $0x0  }
0x14: {  	[sflag:s12] =	ssyncadd.s32 $0xFFFFB800  }
0x15: {  	[tilespmem:s13], [sflag:$0x2] =	stream.linear.gather [hbm4b:s3+s2], $0x80, $0x38;
	[tilespmem:$0x16980] =	vst v63  }
0x16: {  	_ =	swait.ge [sflag:s12], $0x80  }
0x17: {  	[sflag:s12] =	ssyncset.done $0x0  }
0x18: {  	[sflag:s12] =	ssyncadd.s32 $0xFFFFFF80  }
0x19: {  	v0 =	vld [tilespmem:$0x16800]  }
0x1a: {  	v18 =	vld [tilespmem:$0x16810]  }
0x1b: {  	v20 =	vld [tilespmem:$0x16820]  }
0x1c: {  	v19 =	vld [tilespmem:$0x16830]  }
0x1d: {  	v15 =	vld [tilespmem:$0x16840]  }
0x1e: {  	v17 =	vld [tilespmem:$0x16850]  }
0x1f: {  	s19 =	simm.s32 @!p0 $0x1C01;
	s20 =	simm.s32 @!p0 $0x1;
	v14 =	vld [tilespmem:$0x16860]  }
0x20: {  	v16 =	vld [tilespmem:$0x16870];
	[spmem:s14], [sflag:s19] =	dma.local @!p0 [hbm:s4], $0xC000  }
0x21: {  	s21 =	simm.s32 $0x1;
	_ =	swait.ge @!p0 [sflag:s20], $0xC000  }
0x22: {  	v22 =	vadd.s32 s21, v58;
	[sflag:s20] =	ssyncset.done @!p0 $0x0  }
0x23: {  	v23 =	vadd.s32 s21, v3;
	vm0 =	vgt.u32 v22, $0x2FF;
	[sflag:s20] =	ssyncadd.s32 @!p0 $0xFFFF4000  }
0x24: {  	v22 =	vsel vm0, v23, v22;
	v23 =	vadd.s32 s2, v58;
	[spmem:s15], [sflag:s19] =	dma.local @!p0 [hbm:s5], $0xC000  }
0x25: {  	v24 =	vadd.s32 s2, v3;
	v25 =	vadd.s32 v59, v22;
	vm15 =	vgt.u32 v23, $0x2FF;
	[bflag:$0x0] =	sbarrier.arrive $0xFFFF  }
0x26: {  	v26 =	vadd.s32 v4, v22;
	v23 =	vsel vm15, v24, v23;
	[tilespmem:s16], [sflag:$0x2] =	stream.linear.gather [spmem:s6], $0x6000, $0x38;
	[tilespmem:$0x16980] =	vst v63  }
0x27: {  	v24 =	vadd.s32 v59, v23;
	v27 =	vmul.u32 $0x18, v23;
	_ =	swait.ge [sflag:s12], $0x6000  }
0x28: {  	v28 =	vmul.u32 $0x18, v22;
	[sflag:s12] =	ssyncset.done $0x0  }
0x29: {  	[sflag:s12] =	ssyncadd.s32 $0xFFFFA000  }
0x2a: {  	v22 =	vadd.s32 v4, v23;
	v25 =	vld.idx.msk [tilespmem:v25+s16+$0x0], $0xffff  }
0x2b: {  	v29 =	vor.u32 $0x6, v27;
	v26 =	vld.idx.msk [tilespmem:v26+s16+$0x0], $0xffff  }
0x2c: {  	v30 =	vor.u32 $0x1, v27;
	v39 =	vld.idx.msk [tilespmem:v24+s16+$0x0], $0xffff  }
0x2d: {  	v31 =	vor.u32 $0x7, v27;
	v24 =	vld.idx.msk [tilespmem:v27+s11+$0x0], $0xffff  }
0x2e: {  	v32 =	vor.u32 $0x1, v28;
	v52 =	vld.idx.msk [tilespmem:v28+s11+$0x0], $0xffff  }
0x2f: {  	v33 =	vor.u32 $0x2, v27;
	v23 =	vld.idx.msk [tilespmem:v22+s16+$0x0], $0xffff  }
0x30: {  	v22 =	vor.u32 $0x2, v28;
	v49 =	vld.idx.msk [tilespmem:v29+s11+$0x0], $0xffff  }
0x31: {  	v29 =	vor.u32 $0x3, v27;
	v46 =	vld.idx.msk [tilespmem:v30+s11+$0x0], $0xffff  }
0x32: {  	v55 =	vor.u32 $0x5, v28;
	v50 =	vor.u32 $0x3, v28;
	v37 =	vld.idx.msk [tilespmem:v31+s11+$0x0], $0xffff;
	v30 =	vor.u32 $0x4, v28  }
0x33: {  	v42 =	vor.u32 $0x6, v28;
	v54 =	vor.u32 $0x7, v28;
	v47 =	vor.u32 $0x4, v27;
	v40 =	vld.idx.msk [tilespmem:v32+s11+$0x0], $0xffff  }
0x34: {  	v48 =	vor.u32 $0x5, v27;
	v36 =	vmovc v18;
	v34 =	vld.idx.msk [tilespmem:v33+s11+$0x0], $0xffff;
	v27 =	vmul.f32 v24, v39;
	v24 =	vmul.f32 v24, v23  }
0x35: {  	v43 =	vmovc v18;
	v56 =	vmovc v20;
	v58 =	vmov v16;
	v41 =	vmov v19;
	v44 =	vmov v14;
	v22 =	vld.idx.msk [tilespmem:v22+s11+$0x0], $0xffff  }
0x36: {  	v35 =	vmovc v15;
	v32 =	vmov v19;
	v28 =	vmov v20;
	v38 =	vld.idx.msk [tilespmem:v29+s11+$0x0], $0xffff;
	v31 =	vmul.f32 v49, v23;
	[tilespmem:$0x1FF40] =	vst v0  }
0x37: {  	v33 =	vmovc v17;
	v53 =	vmul.f32 v52, v26;
	v59 =	vmul.f32 v46, v39;
	v29 =	vmov v16;
	v51 =	vld.idx.msk [tilespmem:v30+s11+$0x0], $0xffff  }
0x38: {  	s19 =	simm.s32 $0x2;
	v30 =	vmovc v15;
	v57 =	vadd.f32 v27, v0;
	v45 =	vadd.f32 v24, v0;
	v27 =	vmovc v14;
	v24 =	vmov v17  }
.LBB2_2:
0x39: {  	v46 =	vmul.f32 v46, v23  }
0x3a: {  	v61 =	vld.idx.msk [tilespmem:v55+s11+$0x0], $0xffff;
	v62 =	vmovc v26;
	v63 =	vmovc v39;
	v8 =	vmul.f32 v52, v25;
	v0 =	vlaneseq.u32;
	v26 =	vadd.f32 v59, v36  }
0x3b: {  	s20 =	smov.u32 s19;
	v52 =	vld.idx.msk [tilespmem:v48+s11+$0x0], $0xffff;
	v45 =	vadd.f32 v53, v45;
	v48 =	vmul.f32 v49, v63;
	v27 =	vadd.f32 v31, v27  }
0x3c: {  	v10 =	vld.idx.msk [tilespmem:v47+s11+$0x0], $0xffff;
	s21 =	sadd.s32 $0x1, s20;
	v9 =	vmul.f32 v40, v25;
	v43 =	vadd.f32 v46, v43;
	v57 =	vadd.f32 v8, v57  }
0x3d: {  	v59 =	vld.idx.msk [tilespmem:v54+s11+$0x0], $0xffff;
	v40 =	vmul.f32 v40, v62;
	v54 =	vadd.s32 s21, v0;
	v55 =	vadd.s32 s21, v3  }
0x3e: {  	v39 =	vld.idx.msk [tilespmem:v50+s11+$0x0], $0xffff;
	vm0 =	vgt.u32 v54, $0x2FF;
	v60 =	vmul.f32 v37, v23;
	v53 =	vmul.f32 v22, v25  }
0x3f: {  	v11 =	vmul.f32 v34, v63;
	v36 =	vadd.f32 v9, v26;
	v26 =	vmul.f32 v38, v63  }
0x40: {  	v44 =	vadd.f32 v48, v44;
	v47 =	vmul.f32 v37, v63;
	v5 =	vmul.f32 v51, v62  }
0x41: {  	v6 =	vld.idx.msk [tilespmem:v42+s11+$0x0], $0xffff;
	v51 =	vmul.f32 v51, v25;
	v38 =	vmul.f32 v38, v23;
	v42 =	vsel vm0, v55, v54  }
0x42: {  	v34 =	vmul.f32 v34, v23;
	v43 =	vadd.f32 v40, v43;
	v49 =	vmul.f32 v10, v63  }
0x43: {  	v50 =	vadd.s32 v4, v42;
	v46 =	vmul.f32 v10, v23;
	v7 =	vmul.f32 v39, v25  }
0x44: {  	v9 =	vmul.u32 $0x18, v42;
	v58 =	vadd.f32 v47, v58;
	v47 =	vadd.s32 s20, v0;
	v0 =	vld [tilespmem:$0x1FFF0]  }
0x45: {  	v41 =	vadd.f32 v26, v41;
	v26 =	vadd.s32 s20, v3;
	vm15 =	vgt.u32 v47, $0x2FF  }
0x46: {  	v8 =	vmul.f32 v6, v62;
	v10 =	vmul.f32 v52, v23;
	v26 =	vsel vm15, v26, v47  }
0x47: {  	v32 =	vadd.f32 v38, v32;
	v1 =	vor.u32 $0x1, v9;
	v38 =	vmul.u32 $0x18, v26  }
0x48: {  	v21 =	vmul.f32 v39, v62;
	v6 =	vmul.f32 v6, v25;
	v56 =	vadd.f32 v11, v56  }
0x49: {  	v29 =	vadd.f32 v60, v29;
	v37 =	vmul.f32 v59, v62;
	v54 =	vadd.s32 v0, v42  }
0x4a: {  	v60 =	vmul.f32 v61, v25;
	v61 =	vmul.f32 v61, v62;
	v31 =	vadd.s32 v0, v26  }
0x4b: {  	v30 =	vadd.f32 v46, v30;
	v29 =	vadd.f32 v37, v29;
	v37 =	vadd.s32 v4, v26;
	v26 =	vld.idx.msk [tilespmem:v50+s16+$0x0], $0xffff  }
0x4c: {  	v55 =	vor.u32 $0x5, v9;
	v35 =	vadd.f32 v49, v35;
	v27 =	vadd.f32 v8, v27;
	v40 =	vld.idx.msk [tilespmem:v1+s11+$0x0], $0xffff  }
0x4d: {  	v8 =	vmul.f32 v59, v25;
	v41 =	vadd.f32 v7, v41;
	v0 =	vor.u32 $0x6, v38;
	v7 =	vld.idx.msk [tilespmem:v38+s11+$0x0], $0xffff  }
0x4e: {  	v44 =	vadd.f32 v6, v44;
	v56 =	vadd.f32 v53, v56;
	v11 =	vor.u32 $0x1, v38;
	v2 =	vld.idx.msk [tilespmem:v54+s16+$0x0], $0xffff  }
0x4f: {  	v32 =	vadd.f32 v21, v32;
	v35 =	vadd.f32 v51, v35;
	v12 =	vor.u32 $0x2, v38;
	v39 =	vld.idx.msk [tilespmem:v31+s16+$0x0], $0xffff  }
0x50: {  	v30 =	vadd.f32 v5, v30;
	v13 =	vor.u32 $0x3, v38;
	v47 =	vor.u32 $0x4, v38;
	v23 =	vld.idx.msk [tilespmem:v37+s16+$0x0], $0xffff  }
0x51: {  	v48 =	vor.u32 $0x5, v38;
	v31 =	vor.u32 $0x7, v38;
	v38 =	vmul.f32 v52, v63;
	v52 =	vld.idx.msk [tilespmem:v9+s11+$0x0], $0xffff  }
0x52: {  	v50 =	vor.u32 $0x3, v9;
	v42 =	vor.u32 $0x6, v9;
	v63 =	vor.u32 $0x2, v9;
	v49 =	vld.idx.msk [tilespmem:v0+s11+$0x0], $0xffff  }
0x53: {  	p1 =	slt.u32 s19, $0x2FE;
	v1 =	vadd.f32 v10, v24;
	v54 =	vor.u32 $0x7, v9;
	v46 =	vld.idx.msk [tilespmem:v11+s11+$0x0], $0xffff;
	v9 =	vor.u32 $0x4, v9  }
.Ltmp0:
0x54: {  	v0 =	vadd.f32 v34, v28;
	v34 =	vld.idx.msk [tilespmem:v12+s11+$0x0], $0xffff;
	v25 =	vmov v2;
	v2 =	vmul.f32 v7, v39;
	(pc) =	sbr.rel @p1 .LBB2_2-.Ltmp0, $4  }
0x55: {  	v6 =	vmul.f32 v22, v62;
	v58 =	vadd.f32 v8, v58;
	v59 =	vadd.f32 v38, v33;
	v38 =	vld.idx.msk [tilespmem:v13+s11+$0x0], $0xffff  }
0x56: {  	v24 =	vadd.f32 v61, v1;
	v37 =	vld.idx.msk [tilespmem:v31+s11+$0x0], $0xffff;
	v57 =	vadd.f32 v2, v57;
	v2 =	vmul.f32 v7, v23  }
0x57: {  	v28 =	vadd.f32 v6, v0;
	v33 =	vadd.f32 v60, v59;
	v22 =	vld.idx.msk [tilespmem:v63+s11+$0x0], $0xffff;
	v31 =	vmul.f32 v49, v23  }
0x58: {  	s19 =	sadd.s32 $0x2, s19;
	v53 =	vmul.f32 v52, v26;
	v59 =	vmul.f32 v46, v39;
	v51 =	vld.idx.msk [tilespmem:v9+s11+$0x0], $0xffff;
	v45 =	vadd.f32 v2, v45  }
0x59: {  	_ =	sdelay $0x3  }
0x5a: {  	v0 =	vld.idx.msk [tilespmem:v47+s11+$0x0], $0xffff  }
0x5b: {  	v5 =	vld.idx.msk [tilespmem:v48+s11+$0x0], $0xffff;
	v6 =	vmul.f32 v52, v25  }
0x5c: {  	v7 =	vld.idx.msk [tilespmem:v50+s11+$0x0], $0xffff;
	v10 =	vmul.f32 v34, v39;
	v12 =	vmul.f32 v49, v39  }
0x5d: {  	v2 =	vmul.f32 v40, v25;
	v8 =	vld.idx.msk [tilespmem:v55+s11+$0x0], $0xffff;
	v1 =	vadd.f32 v59, v36;
	v6 =	vadd.f32 v6, v57  }
0x5e: {  	v11 =	vmul.f32 v37, v39;
	v10 =	vadd.f32 v10, v56;
	v12 =	vadd.f32 v12, v44  }
0x5f: {  	v21 =	vld.idx.msk [tilespmem:v42+s11+$0x0], $0xffff;
	v9 =	vmul.f32 v22, v25;
	v1 =	vadd.f32 v2, v1;
	v2 =	vmul.f32 v38, v39  }
0x60: {  	v57 =	vld.idx.msk [tilespmem:v54+s11+$0x0], $0xffff;
	v13 =	vmul.f32 v51, v25;
	v11 =	vadd.f32 v11, v58;
	v58 =	vmul.f32 v0, v39  }
0x61: {  	v2 =	vadd.f32 v2, v41;
	v59 =	vmul.f32 v7, v25;
	v60 =	vmul.f32 v5, v39  }
0x62: {  	v61 =	vmul.f32 v8, v25;
	v9 =	vadd.f32 v9, v10;
	v35 =	vadd.f32 v58, v35  }
0x63: {  	v63 =	vmax.f32 v6, v1;
	v2 =	vadd.f32 v59, v2;
	v62 =	vadd.f32 v60, v33  }
0x64: {  	v42 =	vmul.f32 v21, v25;
	v33 =	vmax.f32 v63, v9;
	v13 =	vadd.f32 v13, v35  }
0x65: {  	v25 =	vmul.f32 v57, v25;
	v10 =	vadd.f32 v61, v62;
	v33 =	vmax.f32 v33, v2  }
0x66: {  	v12 =	vadd.f32 v42, v12;
	v33 =	vmax.f32 v33, v13  }
0x67: {  	v11 =	vadd.f32 v25, v11;
	v25 =	vmax.f32 v33, v10  }
0x68: {  	v25 =	vmax.f32 v25, v12  }
0x69: {  	v25 =	vmax.f32 v25, v11  }
0x6a: {  	v6 =	vsub.f32 v6, v25  }
0x6b: {  	v1 =	vsub.f32 v1, v25  }
0x6c: {  	v6 =	vmul.f32 $1.442695020e+00, v6  }
0x6d: {  	v9 =	vsub.f32 v9, v25;
	v1 =	vmul.f32 $1.442695020e+00, v1  }
0x6e: {  	v47 =	vmul.f32 v46, v23;
	(erf) = vpow2.f32 v6  }
0x6f: {  	v2 =	vsub.f32 v2, v25;
	(erf) = vpow2.f32 v1;
	v1 =	vmul.f32 $1.442695020e+00, v9  }
0x70: {  	v48 =	vmul.f32 v40, v26;
	v52 =	vmul.f32 v38, v23  }
0x71: {  	(erf) = vpow2.f32 v1;
	v1 =	vmul.f32 $1.442695020e+00, v2;
	v2 =	vsub.f32 v13, v25  }
0x72: {  	v49 =	vmul.f32 v51, v26;
	v51 =	vadd.f32 v53, v45;
	v0 =	vmul.f32 v0, v23  }
0x73: {  	(erf) = vpow2.f32 v1;
	v1 =	vmul.f32 $1.442695020e+00, v2;
	v2 =	vsub.f32 v10, v25  }
0x74: {  	v53 =	vadd.f32 v52, v32;
	v5 =	vmul.f32 v5, v23;
	v6 =	vmul.f32 v37, v23  }
0x75: {  	(erf) = vpow2.f32 v1;
	v1 =	vmul.f32 $1.442695020e+00, v2;
	v2 =	vsub.f32 v12, v25  }
0x76: {  	v7 =	vmul.f32 v7, v26;
	v0 =	vadd.f32 v0, v30;
	v6 =	vadd.f32 v6, v29  }
0x77: {  	v29 =	vpop (erf);
	(erf) = vpow2.f32 v1;
	v1 =	vmul.f32 $1.442695020e+00, v2;
	v2 =	vsub.f32 v11, v25  }
0x78: {  	v7 =	vadd.f32 v7, v53;
	v13 =	vadd.f32 v47, v43;
	v12 =	vmul.f32 v34, v23;
	v23 =	vpop (erf)  }
0x79: {  	(erf) = vpow2.f32 v1;
	v1 =	vmul.f32 $1.442695020e+00, v2;
	v2 =	vadd.f32 v23, v29  }
0x7a: {  	v22 =	vmul.f32 v22, v26;
	v5 =	vadd.f32 v5, v24;
	v12 =	vadd.f32 v12, v28;
	v25 =	vpop (erf)  }
0x7b: {  	v9 =	vadd.f32 v48, v13;
	(erf) = vpow2.f32 v1;
	v1 =	vadd.f32 v2, v25  }
0x7c: {  	v21 =	vmul.f32 v21, v26;
	v13 =	vadd.f32 v31, v27;
	v54 =	vadd.f32 v22, v12;
	v55 =	vpop (erf)  }
0x7d: {  	v12 =	vmax.f32 v51, v9;
	v2 =	vmul.f32 v8, v26;
	v1 =	vadd.f32 v1, v55  }
0x7e: {  	v50 =	vmul.f32 v57, v26;
	v0 =	vadd.f32 v49, v0;
	v12 =	vmax.f32 v12, v54;
	v22 =	vpop (erf)  }
0x7f: {  	v2 =	vadd.f32 v2, v5;
	v5 =	vmax.f32 v12, v7;
	v1 =	vadd.f32 v1, v22  }
0x80: {  	v12 =	vadd.f32 v21, v13;
	v5 =	vmax.f32 v5, v0;
	v13 =	vpop (erf)  }
0x81: {  	v6 =	vadd.f32 v50, v6;
	v5 =	vmax.f32 v5, v2;
	v1 =	vadd.f32 v1, v13  }
0x82: {  	v5 =	vmax.f32 v5, v12;
	v21 =	vpop (erf)  }
0x83: {  	v5 =	vmax.f32 v5, v6;
	v1 =	vadd.f32 v1, v21  }
0x84: {  	v10 =	vsub.f32 v51, v5;
	v24 =	vpop (erf)  }
0x85: {  	v9 =	vsub.f32 v9, v5;
	v1 =	vadd.f32 v1, v24  }
0x86: {  	v10 =	vmul.f32 $1.442695020e+00, v10  }
0x87: {  	v8 =	vsub.f32 v54, v5;
	(erf) = vrcp.f32 v1;
	v1 =	vmul.f32 $1.442695020e+00, v9  }
0x88: {  	(erf) = vpow2.f32 v10  }
0x89: {  	v7 =	vsub.f32 v7, v5;
	(erf) = vpow2.f32 v1;
	v1 =	vmul.f32 $1.442695020e+00, v8;
	_ =	sdelay $0x1  }
0x8a: {  	v0 =	vsub.f32 v0, v5;
	(erf) = vpow2.f32 v1;
	v1 =	vmul.f32 $1.442695020e+00, v7;
	_ =	sdelay $0x1  }
0x8b: {  	v0 =	vmul.f32 $1.442695020e+00, v0;
	(erf) = vpow2.f32 v1;
	v1 =	vsub.f32 v2, v5;
	_ =	sdelay $0x1  }
0x8c: {  	(erf) = vpow2.f32 v0;
	v0 =	vmul.f32 $1.442695020e+00, v1;
	v1 =	vsub.f32 v12, v5  }
0x8d: {  	v2 =	vpop (erf)  }
0x8e: {  	v7 =	vpop (erf);
	(erf) = vpow2.f32 v0;
	v0 =	vmul.f32 $1.442695020e+00, v1;
	v1 =	vsub.f32 v6, v5  }
0x8f: {  	v5 =	vpop (erf)  }
0x90: {  	(erf) = vpow2.f32 v0;
	v0 =	vmul.f32 $1.442695020e+00, v1;
	v1 =	vadd.f32 v5, v7;
	_ =	sdelay $0x1  }
0x91: {  	v6 =	vpop (erf)  }
0x92: {  	(erf) = vpow2.f32 v0;
	v0 =	vadd.f32 v1, v6  }
0x93: {  	v1 =	vpop (erf)  }
0x94: {  	v0 =	vadd.f32 v0, v1  }
0x95: {  	v56 =	vpop (erf)  }
0x96: {  	v0 =	vadd.f32 v0, v56  }
0x97: {  	v57 =	vpop (erf)  }
0x98: {  	v27 =	vld [tilespmem:$0x1FFD0];
	v0 =	vadd.f32 v0, v57  }
0x99: {  	v58 =	vpop (erf)  }
0x9a: {  	v0 =	vadd.f32 v0, v58  }
0x9b: {  	v12 =	vpop (erf)  }
0x9c: {  	v0 =	vadd.f32 v0, v12;
	_ =	sdelay $0x1  }
0x9d: {  	(erf) = vrcp.f32 v0;
	v0 =	vmul.f32 v2, v29;
	_ =	sdelay $0x1  }
0x9e: {  	[tilespmem:v27+s17+$0x0] =	vst.idx.msk $0xffff, v0;
	v0 =	vmul.f32 v2, v25;
	v25 =	vld [tilespmem:$0x1FF50];
	_ =	sdelay $0x5  }
0x9f: {  	v23 =	vmul.f32 v2, v23;
	_ =	sdelay $0x1  }
0xa0: {  	[tilespmem:v25+s17+$0x0] =	vst.idx.msk $0xffff, v23;
	v23 =	vld [tilespmem:$0x1FF60];
	_ =	sdelay $0x7  }
0xa1: {  	[tilespmem:v23+s17+$0x0] =	vst.idx.msk $0xffff, v0;
	v0 =	vmul.f32 v2, v22;
	v22 =	vld [tilespmem:$0x1FF70]  }
0xa2: {  	v59 =	vmul.f32 v2, v13;
	v13 =	vld [tilespmem:$0x1FF80];
	_ =	sdelay $0x4  }
0xa3: {  	v11 =	vmul.f32 v2, v55;
	_ =	sdelay $0x1  }
0xa4: {  	[tilespmem:v22+s17+$0x0] =	vst.idx.msk $0xffff, v11  }
0xa5: {  	[tilespmem:v13+s17+$0x0] =	vst.idx.msk $0xffff, v0;
	v13 =	vld [tilespmem:$0x1FF90];
	_ =	sdelay $0x7  }
0xa6: {  	[tilespmem:v13+s17+$0x0] =	vst.idx.msk $0xffff, v59;
	v13 =	vld [tilespmem:$0x1FFA0];
	_ =	sdelay $0x5  }
0xa7: {  	v0 =	vmul.f32 v2, v21  }
0xa8: {  	v60 =	vpop (erf)  }
0xa9: {  	[tilespmem:v13+s17+$0x0] =	vst.idx.msk $0xffff, v0;
	v0 =	vmul.f32 v60, v7;
	v7 =	vld [tilespmem:$0x1FFB0];
	_ =	sdelay $0x5  }
0xaa: {  	v2 =	vmul.f32 v2, v24;
	_ =	sdelay $0x1  }
0xab: {  	[tilespmem:v7+s17+$0x0] =	vst.idx.msk $0xffff, v2;
	v2 =	vmul.f32 v60, v5;
	v5 =	vld [tilespmem:$0x1FFC0];
	_ =	sdelay $0x7  }
0xac: {  	[tilespmem:v5+s17+$0x0] =	vst.idx.msk $0xffff, v0;
	v5 =	vld [tilespmem:$0x1FFE0];
	_ =	sdelay $0x3  }
0xad: {  	v21 =	vor.u32 $0x82, v27  }
0xae: {  	v13 =	vor.u32 $0x83, v27  }
0xaf: {  	v24 =	vor.u32 $0x84, v27;
	[tilespmem:$0x1FF20] =	vst v21  }
0xb0: {  	v25 =	vor.u32 $0x85, v27;
	[tilespmem:$0x1FF30] =	vst v13;
	v0 =	vmul.f32 v60, v6  }
0xb1: {  	v26 =	vor.u32 $0x86, v27;
	v1 =	vmul.f32 v60, v1;
	[tilespmem:v5+s17+$0x0] =	vst.idx.msk $0xffff, v2  }
0xb2: {  	v27 =	vor.u32 $0x87, v27;
	[tilespmem:v21+s17+$0x0] =	vst.idx.msk $0xffff, v0;
	v0 =	vmul.f32 v60, v56  }
0xb3: {  	[tilespmem:v13+s17+$0x0] =	vst.idx.msk $0xffff, v1;
	v1 =	vmul.f32 v60, v57  }
0xb4: {  	[tilespmem:v24+s17+$0x0] =	vst.idx.msk $0xffff, v0;
	v0 =	vmul.f32 v60, v58  }
0xb5: {  	[tilespmem:v25+s17+$0x0] =	vst.idx.msk $0xffff, v1;
	v1 =	vmul.f32 v60, v12  }
0xb6: {  	[tilespmem:v26+s17+$0x0] =	vst.idx.msk $0xffff, v0  }
0xb7: {  	[tilespmem:v27+s17+$0x0] =	vst.idx.msk $0xffff, v1  }
0xb8: {  	[hbm4b:s7+s2] =	stream.linear.scatter [tilespmem:s17], [sflag:$0x2], $0x100, $0x38;
	[tilespmem:$0x16980] =	vst v63  }
0xb9: {  	_ =	swait.ge [sflag:s12], $0x100  }
0xba: {  	[sflag:s12] =	ssyncset.done $0x0  }
0xbb: {  	[sflag:s12] =	ssyncadd.s32 $0xFFFFFF00  }
0xbc: {  	s19 =	simm.s32 @!p0 $0x1;
	s20 =	simm.s32 $0x1;
	v2 =	vlaneseq.u32;
	[bflag:$0x0] =	sbarrier.arrive $0xFFFF  }
0xbd: {  	v0 =	vadd.s32 s20, v2;
	_ =	swait.ge @!p0 [sflag:s19], $0xC000  }
0xbe: {  	s21 =	simm.s32 $0x0;
	vm0 =	vgt.u32 v0, $0x2FF;
	v1 =	vadd.s32 s20, v3;
	[sflag:s19] =	ssyncset.done @!p0 $0x0  }
0xbf: {  	v0 =	vsel vm0, v1, v0;
	v1 =	vadd.s32 s21, v2;
	[sflag:s19] =	ssyncadd.s32 @!p0 $0xFFFF4000  }
0xc0: {  	v2 =	vadd.s32 s21, v3;
	vm15 =	vgt.u32 v1, $0x2FF;
	v6 =	vadd.s32 v4, v0;
	[bflag:$0x0] =	sbarrier.arrive $0xFFFF  }
0xc1: {  	v1 =	vsel vm15, v2, v1;
	v59 =	vld [tilespmem:$0x1FFF0];
	[tilespmem:s16], [sflag:$0x2] =	stream.linear.gather [spmem:s8], $0x6000, $0x38  }
0xc2: {  	v7 =	vmul.u32 $0x18, v1;
	_ =	swait.ge [sflag:s12], $0x6000  }
0xc3: {  	[sflag:s12] =	ssyncset.done $0x0  }
0xc4: {  	v61 =	vor.u32 $0x7, v7;
	[sflag:s12] =	ssyncadd.s32 $0xFFFFA000  }
0xc5: {  	v32 =	vld.idx.msk [tilespmem:v6+s16+$0x0], $0xffff;
	v6 =	vor.u32 $0x1, v7  }
0xc6: {  	v5 =	vadd.s32 v59, v0  }
0xc7: {  	v2 =	vadd.s32 v59, v1;
	_ =	sdelay $0x1  }
0xc8: {  	v37 =	vld.idx.msk [tilespmem:v61+s11+$0x0], $0xffff;
	v0 =	vmul.u32 $0x18, v0;
	v1 =	vadd.s32 v4, v1  }
0xc9: {  	v45 =	vld.idx.msk [tilespmem:v6+s11+$0x0], $0xffff  }
0xca: {  	v30 =	vld.idx.msk [tilespmem:v5+s16+$0x0], $0xffff  }
0xcb: {  	v5 =	vor.u32 $0x6, v7;
	v39 =	vld.idx.msk [tilespmem:v2+s16+$0x0], $0xffff  }
0xcc: {  	v63 =	vor.u32 $0x2, v7;
	v2 =	vld.idx.msk [tilespmem:v7+s11+$0x0], $0xffff  }
0xcd: {  	v62 =	vor.u32 $0x1, v0;
	v29 =	vld.idx.msk [tilespmem:v1+s16+$0x0], $0xffff  }
0xce: {  	v54 =	vor.u32 $0x5, v0;
	v49 =	vor.u32 $0x3, v0;
	v1 =	vor.u32 $0x2, v0;
	v51 =	vld.idx.msk [tilespmem:v0+s11+$0x0], $0xffff  }
0xcf: {  	v43 =	vor.u32 $0x6, v0;
	v53 =	vor.u32 $0x7, v0;
	v6 =	vor.u32 $0x4, v0;
	v0 =	vld [tilespmem:$0x1FF40]  }
0xd0: {  	v48 =	vld.idx.msk [tilespmem:v5+s11+$0x0], $0xffff;
	v5 =	vor.u32 $0x3, v7  }
0xd1: {  	v36 =	vld.idx.msk [tilespmem:v63+s11+$0x0], $0xffff  }
0xd2: {  	v44 =	vmovc v18;
	v42 =	vmovc v14;
	v35 =	vmov v15;
	v31 =	vmov v20;
	v46 =	vor.u32 $0x4, v7;
	v40 =	vld.idx.msk [tilespmem:v62+s11+$0x0], $0xffff  }
0xd3: {  	v34 =	vmovc v19;
	v47 =	vor.u32 $0x5, v7;
	v7 =	vmul.f32 v2, v39;
	v28 =	vld.idx.msk [tilespmem:v1+s11+$0x0], $0xffff;
	v1 =	vmul.f32 v2, v29  }
0xd4: {  	v56 =	vmovc v16;
	v21 =	vmovc v17;
	v58 =	vlaneseq.u32;
	v50 =	vld.idx.msk [tilespmem:v6+s11+$0x0], $0xffff;
	v57 =	vmul.f32 v45, v39;
	v52 =	vmul.f32 v51, v32  }
0xd5: {  	s19 =	simm.s32 $0x2;
	v55 =	vadd.f32 v7, v0;
	v41 =	vadd.f32 v1, v0;
	v38 =	vld.idx.msk [tilespmem:v5+s11+$0x0], $0xffff;
	v33 =	vmul.f32 v48, v29  }
.LBB2_4:
0xd6: {  	v0 =	vmul.f32 v45, v29;
	v1 =	vmul.f32 v37, v29  }
0xd7: {  	p1 =	slt.u32 s19, $0x2FE;
	v2 =	vld.idx.msk [tilespmem:v54+s11+$0x0], $0xffff;
	v5 =	vmovc v32;
	v6 =	vmov v39;
	s20 =	smov.u32 s19;
	s19 =	sadd.s32 $0x2, s19;
	v8 =	vmul.f32 v51, v30;
	v14 =	vadd.f32 v33, v14  }
0xd8: {  	v9 =	vmul.f32 v40, v30;
	v7 =	vadd.f32 v57, v18;
	v10 =	vld.idx.msk [tilespmem:v53+s11+$0x0], $0xffff;
	v41 =	vadd.f32 v52, v41  }
0xd9: {  	v12 =	vmul.f32 v28, v30;
	v32 =	vmul.f32 v48, v6;
	v0 =	vadd.f32 v0, v44;
	v11 =	vld.idx.msk [tilespmem:v46+s11+$0x0], $0xffff  }
0xda: {  	v13 =	vmul.f32 v36, v6;
	v8 =	vadd.f32 v8, v55;
	v44 =	vld.idx.msk [tilespmem:v47+s11+$0x0], $0xffff;
	v18 =	vadd.f32 v9, v7  }
0xdb: {  	v1 =	vadd.f32 v1, v16;
	v7 =	vmul.f32 v38, v6;
	v9 =	vmul.f32 v40, v5;
	v39 =	vld.idx.msk [tilespmem:v49+s11+$0x0], $0xffff  }
0xdc: {  	s21 =	sadd.s32 $0x1, s20;
	v13 =	vadd.f32 v13, v20;
	v20 =	vmul.f32 v37, v6;
	v52 =	vmul.f32 v50, v5  }
0xdd: {  	v16 =	vadd.s32 s21, v58;
	v40 =	vmul.f32 v50, v30;
	v50 =	vmul.f32 v2, v30;
	v37 =	vld.idx.msk [tilespmem:v43+s11+$0x0], $0xffff  }
0xde: {  	v46 =	vadd.s32 s20, v58;
	v56 =	vadd.f32 v20, v56;
	v20 =	vmul.f32 v10, v5  }
0xdf: {  	vm0 =	vgt.u32 v16, $0x2FF;
	v38 =	vmul.f32 v38, v29;
	v43 =	vadd.s32 s21, v3  }
0xe0: {  	v7 =	vadd.f32 v7, v19;
	v43 =	vsel vm0, v43, v16;
	v45 =	vmul.f32 v11, v6  }
0xe1: {  	v16 =	vadd.s32 s20, v3;
	v11 =	vmul.f32 v11, v29;
	v19 =	vadd.s32 v4, v43  }
0xe2: {  	v36 =	vmul.f32 v36, v29;
	v42 =	vadd.f32 v32, v42;
	v47 =	vadd.s32 v59, v43  }
0xe3: {  	vm0 =	vgt.u32 v46, $0x2FF;
	v48 =	vmul.f32 v39, v30;
	v55 =	vmul.f32 v37, v5  }
0xe4: {  	v34 =	vadd.f32 v38, v34;
	v2 =	vmul.f32 v2, v5;
	v46 =	vsel vm0, v16, v46  }
0xe5: {  	v16 =	vadd.f32 v20, v1;
	v33 =	vadd.s32 v59, v46;
	v38 =	vmul.u32 $0x18, v46  }
0xe6: {  	v57 =	vmul.u32 $0x18, v43;
	v58 =	vmul.f32 v44, v29;
	v1 =	vadd.s32 v4, v46  }
0xe7: {  	v23 =	vmovc v59;
	v6 =	vmul.f32 v44, v6;
	v20 =	vor.u32 $0x1, v38;
	v59 =	vor.u32 $0x2, v38  }
0xe8: {  	v62 =	vmul.f32 v39, v5;
	v60 =	vor.u32 $0x3, v38;
	v46 =	vor.u32 $0x4, v38;
	v61 =	vld.idx.msk [tilespmem:v47+s16+$0x0], $0xffff  }
0xe9: {  	v11 =	vadd.f32 v11, v15;
	v22 =	vor.u32 $0x1, v57;
	v63 =	vor.u32 $0x6, v38;
	v32 =	vld.idx.msk [tilespmem:v19+s16+$0x0], $0xffff  }
0xea: {  	v54 =	vor.u32 $0x5, v57;
	v47 =	vor.u32 $0x5, v38;
	v19 =	vadd.f32 v48, v7;
	v39 =	vld.idx.msk [tilespmem:v33+s16+$0x0], $0xffff  }
0xeb: {  	v44 =	vadd.f32 v9, v0;
	v49 =	vor.u32 $0x3, v57;
	v15 =	vor.u32 $0x7, v38;
	v7 =	vld.idx.msk [tilespmem:v38+s11+$0x0], $0xffff  }
0xec: {  	v0 =	vadd.f32 v36, v31;
	v43 =	vor.u32 $0x6, v57;
	v53 =	vor.u32 $0x7, v57;
	v51 =	vld.idx.msk [tilespmem:v57+s11+$0x0], $0xffff  }
0xed: {  	v6 =	vadd.f32 v6, v17;
	v33 =	vadd.f32 v45, v35;
	v29 =	vld.idx.msk [tilespmem:v1+s16+$0x0], $0xffff;
	v1 =	vor.u32 $0x2, v57  }
0xee: {  	v21 =	vadd.f32 v58, v21;
	v9 =	vmul.f32 v37, v30;
	v14 =	vadd.f32 v55, v14;
	v48 =	vld.idx.msk [tilespmem:v63+s11+$0x0], $0xffff  }
0xef: {  	v10 =	vmul.f32 v10, v30;
	v34 =	vadd.f32 v62, v34;
	v45 =	vld.idx.msk [tilespmem:v20+s11+$0x0], $0xffff;
	v20 =	vadd.f32 v12, v13  }
0xf0: {  	v58 =	vlaneseq.u32;
	v35 =	vadd.f32 v40, v33;
	v30 =	vmovc v61;
	v12 =	vor.u32 $0x4, v57;
	v37 =	vld.idx.msk [tilespmem:v15+s11+$0x0], $0xffff  }
.Ltmp1:
0xf1: {  	v17 =	vadd.f32 v50, v6;
	v42 =	vadd.f32 v9, v42;
	v13 =	vmul.f32 v7, v39;
	v40 =	vld.idx.msk [tilespmem:v22+s11+$0x0], $0xffff;
	(pc) =	sbr.rel @p1 .LBB2_4-.Ltmp1, $4  }
0xf2: {  	v5 =	vmul.f32 v28, v5;
	v21 =	vadd.f32 v2, v21;
	v15 =	vadd.f32 v52, v11;
	v28 =	vld.idx.msk [tilespmem:v1+s11+$0x0], $0xffff  }
0xf3: {  	v55 =	vadd.f32 v13, v8;
	v1 =	vmul.f32 v7, v29;
	v36 =	vld.idx.msk [tilespmem:v59+s11+$0x0], $0xffff;
	v59 =	vmov v23  }
0xf4: {  	v31 =	vadd.f32 v5, v0;
	v52 =	vmul.f32 v51, v32;
	v33 =	vmul.f32 v48, v29;
	v38 =	vld.idx.msk [tilespmem:v60+s11+$0x0], $0xffff  }
0xf5: {  	v56 =	vadd.f32 v10, v56;
	v41 =	vadd.f32 v1, v41;
	v57 =	vmul.f32 v45, v39;
	v50 =	vld.idx.msk [tilespmem:v12+s11+$0x0], $0xffff  }
0xf6: {  	_ =	sdelay $0x3  }
0xf7: {  	v0 =	vld.idx.msk [tilespmem:v46+s11+$0x0], $0xffff  }
0xf8: {  	v2 =	vmul.f32 v40, v30;
	v5 =	vld.idx.msk [tilespmem:v47+s11+$0x0], $0xffff  }
0xf9: {  	v6 =	vmul.f32 v51, v30;
	v7 =	vld.idx.msk [tilespmem:v49+s11+$0x0], $0xffff;
	v11 =	vmul.f32 v37, v39  }
0xfa: {  	v8 =	vld.idx.msk [tilespmem:v54+s11+$0x0], $0xffff;
	v12 =	vmul.f32 v48, v39;
	v1 =	vadd.f32 v57, v18;
	v9 =	vmul.f32 v28, v30  }
0xfb: {  	v10 =	vmul.f32 v36, v39;
	v6 =	vadd.f32 v6, v55;
	v11 =	vadd.f32 v11, v56  }
0xfc: {  	v18 =	vld.idx.msk [tilespmem:v43+s11+$0x0], $0xffff;
	v12 =	vadd.f32 v12, v42;
	v1 =	vadd.f32 v2, v1;
	v2 =	vmul.f32 v38, v39  }
0xfd: {  	v46 =	vld.idx.msk [tilespmem:v53+s11+$0x0], $0xffff;
	v10 =	vadd.f32 v10, v20;
	v13 =	vmul.f32 v50, v30;
	v47 =	vmul.f32 v0, v39  }
0xfe: {  	v2 =	vadd.f32 v2, v19;
	v22 =	vmul.f32 v7, v30;
	v48 =	vmul.f32 v5, v39  }
0xff: {  	v49 =	vmul.f32 v8, v30;
	v9 =	vadd.f32 v9, v10;
	v19 =	vadd.f32 v47, v35  }
0x100: {  	v53 =	vmax.f32 v6, v1;
	v2 =	vadd.f32 v22, v2;
	v51 =	vadd.f32 v48, v17  }
0x101: {  	v54 =	vmul.f32 v18, v30;
	v17 =	vmax.f32 v53, v9;
	v13 =	vadd.f32 v13, v19  }
0x102: {  	v55 =	vmul.f32 v46, v30;
	v10 =	vadd.f32 v49, v51;
	v17 =	vmax.f32 v17, v2  }
0x103: {  	v12 =	vadd.f32 v54, v12;
	v17 =	vmax.f32 v17, v13  }
0x104: {  	v11 =	vadd.f32 v55, v11;
	v17 =	vmax.f32 v17, v10  }
0x105: {  	v17 =	vmax.f32 v17, v12  }
0x106: {  	v17 =	vmax.f32 v17, v11  }
0x107: {  	v6 =	vsub.f32 v6, v17  }
0x108: {  	v1 =	vsub.f32 v1, v17  }
0x109: {  	v6 =	vmul.f32 $1.442695020e+00, v6  }
0x10a: {  	v9 =	vsub.f32 v9, v17;
	v1 =	vmul.f32 $1.442695020e+00, v1  }
0x10b: {  	(erf) = vpow2.f32 v6  }
0x10c: {  	v2 =	vsub.f32 v2, v17;
	(erf) = vpow2.f32 v1;
	v1 =	vmul.f32 $1.442695020e+00, v9  }
0x10d: {  	v57 =	vmul.f32 v40, v32;
	v62 =	vadd.f32 v52, v41;
	v56 =	vmul.f32 v45, v29  }
0x10e: {  	(erf) = vpow2.f32 v1;
	v1 =	vmul.f32 $1.442695020e+00, v2;
	v2 =	vsub.f32 v13, v17  }
0x10f: {  	v43 =	vadd.f32 v33, v14;
	v23 =	vmul.f32 v36, v29;
	v63 =	vmul.f32 v38, v29  }
0x110: {  	(erf) = vpow2.f32 v1;
	v1 =	vmul.f32 $1.442695020e+00, v2;
	v2 =	vsub.f32 v10, v17  }
0x111: {  	v38 =	vmul.f32 v28, v32;
	v60 =	vadd.f32 v56, v44;
	v61 =	vmul.f32 v50, v32  }
0x112: {  	(erf) = vpow2.f32 v1;
	v1 =	vmul.f32 $1.442695020e+00, v2;
	v2 =	vsub.f32 v12, v17  }
0x113: {  	v20 =	vmul.f32 v46, v32;
	v0 =	vmul.f32 v0, v29;
	v36 =	vadd.f32 v63, v34  }
0x114: {  	v35 =	vpop (erf);
	(erf) = vpow2.f32 v1;
	v1 =	vmul.f32 $1.442695020e+00, v2;
	v2 =	vsub.f32 v11, v17  }
0x115: {  	v7 =	vmul.f32 v7, v32;
	v0 =	vadd.f32 v0, v15;
	v6 =	vmul.f32 v37, v29;
	v37 =	vpop (erf)  }
0x116: {  	(erf) = vpow2.f32 v1;
	v1 =	vmul.f32 $1.442695020e+00, v2;
	v2 =	vadd.f32 v37, v35  }
0x117: {  	v5 =	vmul.f32 v5, v29;
	v7 =	vadd.f32 v7, v36;
	v12 =	vadd.f32 v23, v31;
	v39 =	vpop (erf)  }
0x118: {  	v9 =	vadd.f32 v57, v60;
	(erf) = vpow2.f32 v1;
	v1 =	vadd.f32 v2, v39  }
0x119: {  	v30 =	vmul.f32 v18, v32;
	v5 =	vadd.f32 v5, v21;
	v40 =	vadd.f32 v38, v12;
	v41 =	vpop (erf)  }
0x11a: {  	v42 =	vmax.f32 v62, v9;
	v2 =	vmul.f32 v8, v32;
	v1 =	vadd.f32 v1, v41  }
0x11b: {  	v0 =	vadd.f32 v61, v0;
	v6 =	vadd.f32 v6, v16;
	v12 =	vmax.f32 v42, v40;
	v44 =	vpop (erf)  }
0x11c: {  	v2 =	vadd.f32 v2, v5;
	v5 =	vmax.f32 v12, v7;
	v1 =	vadd.f32 v1, v44  }
0x11d: {  	v45 =	vadd.f32 v30, v43;
	v5 =	vmax.f32 v5, v0;
	v46 =	vpop (erf)  }
0x11e: {  	v6 =	vadd.f32 v20, v6;
	v5 =	vmax.f32 v5, v2;
	v1 =	vadd.f32 v1, v46  }
0x11f: {  	v5 =	vmax.f32 v5, v45;
	v47 =	vpop (erf)  }
0x120: {  	v5 =	vmax.f32 v5, v6;
	v1 =	vadd.f32 v1, v47  }
0x121: {  	v10 =	vsub.f32 v62, v5;
	v48 =	vpop (erf)  }
0x122: {  	v9 =	vsub.f32 v9, v5;
	v1 =	vadd.f32 v1, v48  }
0x123: {  	v10 =	vmul.f32 $1.442695020e+00, v10  }
0x124: {  	v8 =	vsub.f32 v40, v5;
	(erf) = vrcp.f32 v1;
	v1 =	vmul.f32 $1.442695020e+00, v9  }
0x125: {  	(erf) = vpow2.f32 v10  }
0x126: {  	v7 =	vsub.f32 v7, v5;
	(erf) = vpow2.f32 v1;
	v1 =	vmul.f32 $1.442695020e+00, v8;
	_ =	sdelay $0x1  }
0x127: {  	v0 =	vsub.f32 v0, v5;
	(erf) = vpow2.f32 v1;
	v1 =	vmul.f32 $1.442695020e+00, v7;
	_ =	sdelay $0x1  }
0x128: {  	v0 =	vmul.f32 $1.442695020e+00, v0;
	(erf) = vpow2.f32 v1;
	v1 =	vsub.f32 v2, v5;
	_ =	sdelay $0x1  }
0x129: {  	(erf) = vpow2.f32 v0;
	v0 =	vmul.f32 $1.442695020e+00, v1;
	v1 =	vsub.f32 v45, v5  }
0x12a: {  	v2 =	vpop (erf)  }
0x12b: {  	v7 =	vpop (erf);
	(erf) = vpow2.f32 v0;
	v0 =	vmul.f32 $1.442695020e+00, v1;
	v1 =	vsub.f32 v6, v5  }
0x12c: {  	v5 =	vpop (erf)  }
0x12d: {  	(erf) = vpow2.f32 v0;
	v0 =	vmul.f32 $1.442695020e+00, v1;
	v1 =	vadd.f32 v5, v7;
	_ =	sdelay $0x1  }
0x12e: {  	v6 =	vpop (erf)  }
0x12f: {  	(erf) = vpow2.f32 v0;
	v0 =	vadd.f32 v1, v6  }
0x130: {  	v1 =	vpop (erf)  }
0x131: {  	v0 =	vadd.f32 v0, v1  }
0x132: {  	v49 =	vpop (erf)  }
0x133: {  	v0 =	vadd.f32 v0, v49  }
0x134: {  	v50 =	vpop (erf)  }
0x135: {  	v0 =	vadd.f32 v0, v50  }
0x136: {  	v51 =	vpop (erf)  }
0x137: {  	v53 =	vld [tilespmem:$0x1FFD0];
	v0 =	vadd.f32 v0, v51  }
0x138: {  	v54 =	vld [tilespmem:$0x1FF50];
	v52 =	vpop (erf)  }
0x139: {  	v55 =	vld [tilespmem:$0x1FF60];
	v0 =	vadd.f32 v0, v52  }
0x13a: {  	v56 =	vld [tilespmem:$0x1FF70]  }
0x13b: {  	v60 =	vld [tilespmem:$0x1FF80];
	(erf) = vrcp.f32 v0  }
0x13c: {  	v61 =	vld [tilespmem:$0x1FF90]  }
0x13d: {  	v63 =	vld [tilespmem:$0x1FFA0];
	v0 =	vmul.f32 v2, v35  }
0x13e: {  	v17 =	vmul.f32 v2, v37  }
0x13f: {  	[tilespmem:v53+s17+$0x0] =	vst.idx.msk $0xffff, v0;
	v0 =	vmul.f32 v2, v39  }
0x140: {  	v11 =	vmul.f32 v2, v41;
	[tilespmem:v54+s17+$0x0] =	vst.idx.msk $0xffff, v17  }
0x141: {  	[tilespmem:v55+s17+$0x0] =	vst.idx.msk $0xffff, v0;
	v0 =	vmul.f32 v2, v44  }
0x142: {  	v57 =	vmul.f32 v2, v46;
	[tilespmem:v56+s17+$0x0] =	vst.idx.msk $0xffff, v11  }
0x143: {  	[tilespmem:v60+s17+$0x0] =	vst.idx.msk $0xffff, v0;
	v0 =	vmul.f32 v2, v47  }
0x144: {  	[tilespmem:v61+s17+$0x0] =	vst.idx.msk $0xffff, v57;
	v62 =	vpop (erf)  }
0x145: {  	[tilespmem:v63+s17+$0x0] =	vst.idx.msk $0xffff, v0;
	v0 =	vmul.f32 v62, v7;
	v7 =	vld [tilespmem:$0x1FFB0];
	_ =	sdelay $0x5  }
0x146: {  	v2 =	vmul.f32 v2, v48;
	_ =	sdelay $0x1  }
0x147: {  	[tilespmem:v7+s17+$0x0] =	vst.idx.msk $0xffff, v2;
	v2 =	vmul.f32 v62, v5;
	v5 =	vld [tilespmem:$0x1FFC0];
	_ =	sdelay $0x7  }
0x148: {  	[tilespmem:v5+s17+$0x0] =	vst.idx.msk $0xffff, v0;
	v5 =	vld [tilespmem:$0x1FFE0];
	_ =	sdelay $0x7  }
0x149: {  	[tilespmem:v5+s17+$0x0] =	vst.idx.msk $0xffff, v2;
	v2 =	vld [tilespmem:$0x1FF20];
	_ =	sdelay $0x5  }
0x14a: {  	v0 =	vmul.f32 v62, v6;
	_ =	sdelay $0x1  }
0x14b: {  	[tilespmem:v2+s17+$0x0] =	vst.idx.msk $0xffff, v0;
	v2 =	vld [tilespmem:$0x1FF30];
	_ =	sdelay $0x5  }
0x14c: {  	v1 =	vmul.f32 v62, v1  }
0x14d: {  	v0 =	vmul.f32 v62, v49  }
0x14e: {  	[tilespmem:v2+s17+$0x0] =	vst.idx.msk $0xffff, v1;
	v1 =	vmul.f32 v62, v50  }
0x14f: {  	[tilespmem:v24+s17+$0x0] =	vst.idx.msk $0xffff, v0;
	v0 =	vmul.f32 v62, v51  }
0x150: {  	[tilespmem:v25+s17+$0x0] =	vst.idx.msk $0xffff, v1;
	v1 =	vmul.f32 v62, v52  }
0x151: {  	s18 =	sadd.s32 $0x1, s18;
	[tilespmem:v26+s17+$0x0] =	vst.idx.msk $0xffff, v0  }
0x152: {  	p1 =	sne.s32 s18, s10;
	[tilespmem:v27+s17+$0x0] =	vst.idx.msk $0xffff, v1  }
0x153: {  	[hbm4b:s9+s2] =	stream.linear.scatter [tilespmem:s17], [sflag:$0x2], $0x100, $0x38;
	[tilespmem:$0x16980] =	vst v63  }
.Ltmp2:
0x154: {  	_ =	swait.ge [sflag:s12], $0x100;
	(pc) =	sbr.rel @p1 .LBB2_1-.Ltmp2, $3  }
0x155: {  	[sflag:s12] =	ssyncset.done $0x0  }
0x156: {  	[sflag:s12] =	ssyncadd.s32 $0xFFFFFF00  }
0x157: {  	[bflag:$0x0] =	sbarrier.arrive $0xFFFF;
	_ =	sdelay $0x1  }
0x158: {  	_ =	sfence.sel $0x180000  }
0x159: {  	[bflag:$0x0] =	sbarrier.arrive $0xFFFF  }
0x15a: {  	_ =	strace $0x90000047  }
0x15b: {  	s0 =	sadd.s32 @!p0 $0x100000, s1;
	[bflag:$0x2] =	sbarrier.arrive $0xFFFF  }
0x15c: {  	[sflag:s0] =	ssyncadd.tile.s32 @!p0 $0x1;
	_ =	shalt  }
.Lfunc_end2:
_tile_overlayer_lowered:
.L_overlay_start_2:
0x15d: {  	(tag) =	ssettag $0x2  }
0x15e: {  	s0 =	rddreg [dreg:$0x0];
	s2 =	stileid.u32  }
0x15f: {  	s1 =	rddreg [dreg:$0x1];
	p0 =	sne.s32 s2, $0x0  }
0x160: {  	s3 =	rddreg [dreg:$0x2];
	[bflag:$0x3] =	sbarrier.arrive $0xFFFF;
	s2 =	simm.s32 @!p0 $0x1C02  }
0x161: {  	[timem:s3], [sflag:s2] =	dma.local @!p0 [hbm:s0], s1  }
0x162: {  	s0 =	simm.s32 @!p0 $0x2  }
0x163: {  	_ =	swait.ge @!p0 [sflag:s0], s1  }
0x164: {  	s1 =	ssub.s32 @!p0 $0x0, s1;
	[sflag:s0] =	ssyncset.done @!p0 $0x0  }
0x165: {  	[sflag:s0] =	ssyncadd.s32 @!p0 s1  }
0x166: {  	[bflag:$0x3] =	sbarrier.arrive $0xFFFF  }
0x167: {  	_ =	shalt  }

</sc_bundles>
